<compile_context>
chip_gen: v7x
topology: tpu7x:2x2x1
jax: 0.10.2.dev20260603
libtpu: 0.0.44.dev20260713+nightly
codegen_flags: <defaults>
</compile_context>

<pallas_src>
import jax
import jax.numpy as jnp
from jax.experimental import pallas as pl
from jax.experimental.pallas import tpu as pltpu

_MAP_SCALE = 0.1
_K = 5
_BBLK = 8
_SEQ = 197
_EMBED = 768


def _map_to_ball(x):
    sq = jnp.sum(x * x, axis=-1, keepdims=True)
    xn = x * jax.lax.rsqrt(jnp.maximum(sq, 1e-12)) * _MAP_SCALE
    n = jnp.maximum(jnp.sqrt(jnp.sum(xn * xn, axis=-1, keepdims=True)), 1e-15)
    v = jnp.tanh(n) * xn / n
    n2 = jnp.maximum(jnp.sqrt(jnp.sum(v * v, axis=-1, keepdims=True)), 1e-15)
    maxnorm = 1.0 - 1e-5
    return v * jnp.where(n2 > maxnorm, maxnorm / n2, 1.0)


def _body(x_ref, p2d_ref, pk_ref, out_ref, sim_ref, rs_ref, kn_ref, idx_ref,
          pr_ref, copy_sem, pr_sem):
    g = pl.program_id(0)
    bblk = x_ref.shape[0]
    seq, embed = _SEQ, _EMBED
    pool = pk_ref.shape[0]
    length = p2d_ref.shape[1] // embed
    off = _K * length * embed

    big_copy = pltpu.make_async_copy(
        x_ref,
        out_ref.at[pl.ds(g * bblk, bblk), pl.ds(off, seq * embed)],
        copy_sem,
    )
    big_copy.start()

    parts = []
    for j in range(4):
        a = x_ref[:, j * embed:(j + 1) * embed]
        for s in range(j + 4, seq, 4):
            a = a + x_ref[:, s * embed:(s + 1) * embed]
        parts.append(a)
    xsum = (parts[0] + parts[1]) + (parts[2] + parts[3])

    qb = _map_to_ball(xsum * (1.0 / seq))
    kb = _map_to_ball(pk_ref[...])

    x2 = jnp.sum(qb * qb, axis=1, keepdims=True)
    y2c = jnp.sum(kb * kb, axis=1, keepdims=True)
    dn_xy = (((1,), (1,)), ((), ()))
    xy = jax.lax.dot_general(qb, kb, dn_xy,
                             preferred_element_type=jnp.float32,
                             precision=jax.lax.Precision.HIGHEST)
    ones_col = jnp.ones((bblk, 1), jnp.float32)
    y2 = jax.lax.dot_general(ones_col, y2c, dn_xy,
                             preferred_element_type=jnp.float32,
                             precision=jax.lax.Precision.HIGHEST)
    a = 1.0 - 2.0 * xy + y2
    b = 1.0 - x2
    den = jnp.maximum(1.0 - 2.0 * xy + x2 * y2, 1e-15)
    n2 = a * a * x2 + b * b * y2 - 2.0 * a * b * xy
    dn = jnp.sqrt(jnp.maximum(n2, 0.0)) / den
    z = jnp.minimum(dn, 1.0 - 1e-5)
    dist = jnp.log((1.0 + z) / (1.0 - z))
    sim = -dist
    sim_ref[...] = sim

    iota = jax.lax.broadcasted_iota(jnp.int32, (bblk, pool), 1)
    active = jnp.full((bblk, pool), True)
    for _ in range(_K):
        m = jnp.max(jnp.where(active, sim, -jnp.inf), axis=1, keepdims=True)
        cand = jnp.where((sim == m) & active, iota, pool)
        pick = jnp.min(cand, axis=1, keepdims=True)
        active = active & (iota != pick)
    sel = jnp.logical_not(active)

    part = jnp.sum(jnp.where(sel, dist, 0.0))

    @pl.when(g == 0)
    def _():
        rs_ref[0, 0] = part

    @pl.when(g > 0)
    def _():
        rs_ref[0, 0] += part

    r0 = jax.lax.broadcasted_iota(jnp.int32, (pool, pool), 0)
    r1 = jax.lax.broadcasted_iota(jnp.int32, (pool, pool), 1)
    tri = (r0 <= r1).astype(jnp.float32)
    rank = jax.lax.dot_general(sel.astype(jnp.float32), tri,
                               (((1,), (0,)), ((), ())),
                               preferred_element_type=jnp.float32)
    dn_mm = (((1,), (0,)), ((), ()))
    for k in range(_K):
        cond = sel & (rank == float(k + 1))
        idxk = jnp.min(jnp.where(cond, iota, pool), axis=1, keepdims=True)
        idx_ref[:, k] = idxk[:, 0]
        oh = (iota == idxk).astype(jnp.float32)
        kn_ref[:, k, :] = jax.lax.dot_general(
            oh, kb, dn_mm, preferred_element_type=jnp.float32,
            precision=jax.lax.Precision.HIGHEST)
        chunk = jax.lax.dot_general(
            oh, p2d_ref[...], dn_mm,
            preferred_element_type=jnp.float32)
        pr_ref[:, k * length * embed:(k + 1) * length * embed] = chunk

    pr_copy = pltpu.make_async_copy(
        pr_ref,
        out_ref.at[pl.ds(g * bblk, bblk), pl.ds(0, off)],
        pr_sem,
    )
    pr_copy.start()
    pr_copy.wait()
    big_copy.wait()


def kernel(x_embed, prompt, prompt_key):
    batch, seq, embed = x_embed.shape
    pool, length, _ = prompt.shape
    seq_out = _K * length + seq
    grid = (batch // _BBLK,)

    p2d = prompt.reshape(pool, length * embed)
    x2d = x_embed.reshape(batch, seq * embed)

    outs = pl.pallas_call(
        _body,
        grid=grid,
        in_specs=[
            pl.BlockSpec((_BBLK, seq * embed), lambda g: (g, 0)),
            pl.BlockSpec((pool, length * embed), lambda g: (0, 0)),
            pl.BlockSpec((pool, embed), lambda g: (0, 0)),
        ],
        out_specs=[
            pl.BlockSpec(memory_space=pl.ANY),
            pl.BlockSpec((_BBLK, pool), lambda g: (g, 0)),
            pl.BlockSpec((1, 1), lambda g: (0, 0),
                         memory_space=pltpu.SMEM),
            pl.BlockSpec((_BBLK, _K, embed), lambda g: (g, 0, 0)),
            pl.BlockSpec((_BBLK, _K), lambda g: (g, 0)),
        ],
        out_shape=[
            jax.ShapeDtypeStruct((batch, seq_out * embed), jnp.float32),
            jax.ShapeDtypeStruct((batch, pool), jnp.float32),
            jax.ShapeDtypeStruct((1, 1), jnp.float32),
            jax.ShapeDtypeStruct((batch, _K, embed), jnp.float32),
            jax.ShapeDtypeStruct((batch, _K), jnp.int32),
        ],
        scratch_shapes=[
            pltpu.VMEM((_BBLK, _K * length * embed), jnp.float32),
            pltpu.SemaphoreType.DMA,
            pltpu.SemaphoreType.DMA,
        ],
        compiler_params=pltpu.CompilerParams(
            dimension_semantics=("arbitrary",),
        ),
    )(x2d, p2d, prompt_key)

    pe, sim, rs, kn, idx = outs
    return (pe.reshape(batch, seq_out, embed), sim,
            rs[0, 0] * (1.0 / batch), kn, idx)

# --- scband reference (transcript-rebuilt; emitter-appended) ---
"""Pipeline reference for scband-hyperbolic-prompt-pool-7516192768899 (READ-ONLY COPY).

The authoritative reference and input builder live on the scoring server;
editing this copy changes nothing except your own understanding.
"""

import jax, jax.numpy as jnp
import numpy as np

C = 1.0
MAP_SCALE = 0.1
TOP_K = 5
LENGTH = 5
POOL_SIZE = 60
EMBED_DIM = 768
BATCH = 128
SEQ = 197


def l2_normalize(x, axis=-1, eps=1e-12):
    sq = jnp.sum(x ** 2, axis=axis, keepdims=True)
    return x * jax.lax.rsqrt(jnp.maximum(sq, eps))


def expmap0(u, c):
    sc = jnp.sqrt(c)
    n = jnp.maximum(jnp.linalg.norm(u, axis=-1, keepdims=True), 1e-15)
    return jnp.tanh(sc * n) * u / (sc * n)


def proju0(x, c):
    sc = jnp.sqrt(c)
    maxnorm = (1.0 - 1e-5) / sc
    n = jnp.maximum(jnp.linalg.norm(x, axis=-1, keepdims=True), 1e-15)
    scale = jnp.where(n > maxnorm, maxnorm / n, 1.0)
    return x * scale


def mobius_add(x, y, c):
    x2 = jnp.sum(x * x, axis=-1, keepdims=True)
    y2 = jnp.sum(y * y, axis=-1, keepdims=True)
    xy = jnp.sum(x * y, axis=-1, keepdims=True)
    num = (1.0 + 2.0 * c * xy + c * y2) * x + (1.0 - c * x2) * y
    den = 1.0 + 2.0 * c * xy + c * c * x2 * y2
    return num / jnp.maximum(den, 1e-15)


def poincare_dist(x, y, c):
    sc = jnp.sqrt(c)
    diff = mobius_add(-x, y, c)
    dn = jnp.linalg.norm(diff, axis=-1)
    return (2.0 / sc) * jnp.arctanh(jnp.minimum(sc * dn, 1.0 - 1e-5))


def map_to_ball(x, c, scale):
    xn = l2_normalize(x, axis=-1) * scale
    return proju0(expmap0(xn, c), c)


def setup_inputs(seed: int = 0):
    key = jax.random.key(seed)
    k1, k2, k3 = jax.random.split(key, 3)
    x_embed = jax.random.normal(k1, (BATCH, SEQ, EMBED_DIM), dtype=jnp.float32)
    prompt = jax.random.uniform(k2, (POOL_SIZE, LENGTH, EMBED_DIM), minval=-1.0, maxval=1.0, dtype=jnp.float32)
    prompt_key = jax.random.uniform(k3, (POOL_SIZE, EMBED_DIM), minval=-1.0, maxval=1.0, dtype=jnp.float32)
    return {"x_embed": x_embed, "prompt": prompt, "prompt_key": prompt_key}


def reference(x_embed, prompt, prompt_key):
    # embedding_key == 'mean'
    x_embed_mean = jnp.mean(x_embed, axis=1)
    # hyperbolic similarity
    query_ball = map_to_ball(x_embed_mean, C, MAP_SCALE)
    keys_ball = map_to_ball(prompt_key, C, MAP_SCALE)
    distance = poincare_dist(query_ball[:, None, :], keys_ball[None, :, :], C)  # [B, P]
    similarity = -1.0 * distance
    # top-k selection (prompt_mask=None, task_id=None, batchwise_prompt=False)
    _, idx = jax.lax.top_k(similarity, TOP_K)
    idx = jnp.sort(idx, axis=1)
    batched_prompt_raw = prompt[idx]  # [B, K, L, D]
    B = x_embed.shape[0]
    batched_prompt = batched_prompt_raw.reshape(B, TOP_K * LENGTH, EMBED_DIM)
    batched_key_norm = keys_ball[idx]  # selected_key
    selected_distances = jnp.take_along_axis(distance, idx, axis=1)
    reduce_sim = jnp.sum(selected_distances) / B
    prompted_embedding = jnp.concatenate([batched_prompt, x_embed], axis=1)
    return (prompted_embedding, similarity, reduce_sim, batched_key_norm, idx)

if __name__ == "__main__":
    import jax
    _d = setup_inputs()
    print(jax.jit(kernel)(*tuple(_d.values())))

</pallas_src>

<mosaic_0001>
module attributes {stable_mosaic.version = 14 : i64} {
  func.func @_body(%arg0: i32, %arg1: memref<8x151296xf32, #tpu.memory_space<vmem>>, %arg2: memref<60x3840xf32, #tpu.memory_space<vmem>>, %arg3: memref<60x768xf32, #tpu.memory_space<vmem>>, %arg4: memref<128x170496xf32, #tpu.memory_space<any>>, %arg5: memref<8x60xf32, #tpu.memory_space<vmem>>, %arg6: memref<1x1xf32, #tpu.memory_space<smem>>, %arg7: memref<8x5x768xf32, #tpu.memory_space<vmem>>, %arg8: memref<8x5xi32, #tpu.memory_space<vmem>>, %arg9: memref<8x19200xf32, #tpu.memory_space<vmem>>, %arg10: memref<!tpu.dma_semaphore, #tpu.memory_space<semaphore_mem>>, %arg11: memref<!tpu.dma_semaphore, #tpu.memory_space<semaphore_mem>>) attributes {dimension_semantics = [#tpu.dimension_semantics<arbitrary>], iteration_bounds = array<i64: 16>, scalar_prefetch = 0 : i64, scratch_operands = 3 : i64, tpu.core_type = #tpu.core_type<tc>, window_params = [{transform_indices = @transform_0, window_bounds = array<i64: 8, 151296>}, {pipeline_mode = #tpu.pipeline_mode<synchronous>, transform_indices = @transform_1, window_bounds = array<i64: 60, 3840>}, {pipeline_mode = #tpu.pipeline_mode<synchronous>, transform_indices = @transform_2, window_bounds = array<i64: 60, 768>}, {}, {transform_indices = @transform_4, window_bounds = array<i64: 8, 60>}, {transform_indices = @transform_5, window_bounds = array<i64: 1, 1>}, {transform_indices = @transform_6, window_bounds = array<i64: 8, 5, 768>}, {transform_indices = @transform_7, window_bounds = array<i64: 8, 5>}]} {
    %mul3A = arith.constant 8 : i32
    %mul3A_0 = arith.muli %arg0, %mul3A : i32
    %dma_start3A = arith.constant 19200 : i32
    %dma_start3A_1 = tpu.memref_slice %arg4[%mul3A_0, %dma_start3A] : memref<128x170496xf32, #tpu.memory_space<any>> -> memref<8x151296xf32, #tpu.memory_space<any>>
    tpu.enqueue_dma source(%arg1 : memref<8x151296xf32, #tpu.memory_space<vmem>>) target(%dma_start3A_1 : memref<8x151296xf32, #tpu.memory_space<any>>) target_semaphore(%arg10 : memref<!tpu.dma_semaphore, #tpu.memory_space<semaphore_mem>>)
    %get3A = arith.constant 0 : index
    %get3A_2 = arith.constant 0 : index
    %get3A_3 = vector.load %arg1[%get3A, %get3A_2] : memref<8x151296xf32, #tpu.memory_space<vmem>>, vector<8x768xf32>
    %get3A_4 = arith.constant 0 : index
    %get3A_5 = arith.constant 3072 : index
    %get3A_6 = vector.load %arg1[%get3A_4, %get3A_5] : memref<8x151296xf32, #tpu.memory_space<vmem>>, vector<8x768xf32>
    %add3A = arith.addf %get3A_3, %get3A_6 : vector<8x768xf32>
    %get3A_7 = arith.constant 0 : index
    %get3A_8 = arith.constant 6144 : index
    %get3A_9 = vector.load %arg1[%get3A_7, %get3A_8] : memref<8x151296xf32, #tpu.memory_space<vmem>>, vector<8x768xf32>
    %add3A_10 = arith.addf %add3A, %get3A_9 : vector<8x768xf32>
    %get3A_11 = arith.constant 0 : index
    %get3A_12 = arith.constant 9216 : index
    %get3A_13 = vector.load %arg1[%get3A_11, %get3A_12] : memref<8x151296xf32, #tpu.memory_space<vmem>>, vector<8x768xf32>
    %add3A_14 = arith.addf %add3A_10, %get3A_13 : vector<8x768xf32>
    %get3A_15 = arith.constant 0 : index
    %get3A_16 = arith.constant 12288 : index
    %get3A_17 = vector.load %arg1[%get3A_15, %get3A_16] : memref<8x151296xf32, #tpu.memory_space<vmem>>, vector<8x768xf32>
    %add3A_18 = arith.addf %add3A_14, %get3A_17 : vector<8x768xf32>
    %get3A_19 = arith.constant 0 : index
    %get3A_20 = arith.constant 15360 : index
    %get3A_21 = vector.load %arg1[%get3A_19, %get3A_20] : memref<8x151296xf32, #tpu.memory_space<vmem>>, vector<8x768xf32>
    %add3A_22 = arith.addf %add3A_18, %get3A_21 : vector<8x768xf32>
    %get3A_23 = arith.constant 0 : index
    %get3A_24 = arith.constant 18432 : index
    %get3A_25 = vector.load %arg1[%get3A_23, %get3A_24] : memref<8x151296xf32, #tpu.memory_space<vmem>>, vector<8x768xf32>
    %add3A_26 = arith.addf %add3A_22, %get3A_25 : vector<8x768xf32>
    %get3A_27 = arith.constant 0 : index
    %get3A_28 = arith.constant 21504 : index
    %get3A_29 = vector.load %arg1[%get3A_27, %get3A_28] : memref<8x151296xf32, #tpu.memory_space<vmem>>, vector<8x768xf32>
    %add3A_30 = arith.addf %add3A_26, %get3A_29 : vector<8x768xf32>
    %get3A_31 = arith.constant 0 : index
    %get3A_32 = arith.constant 24576 : index
    %get3A_33 = vector.load %arg1[%get3A_31, %get3A_32] : memref<8x151296xf32, #tpu.memory_space<vmem>>, vector<8x768xf32>
    %add3A_34 = arith.addf %add3A_30, %get3A_33 : vector<8x768xf32>
    %get3A_35 = arith.constant 0 : index
    %get3A_36 = arith.constant 27648 : index
    %get3A_37 = vector.load %arg1[%get3A_35, %get3A_36] : memref<8x151296xf32, #tpu.memory_space<vmem>>, vector<8x768xf32>
    %add3A_38 = arith.addf %add3A_34, %get3A_37 : vector<8x768xf32>
    %get3A_39 = arith.constant 0 : index
    %get3A_40 = arith.constant 30720 : index
    %get3A_41 = vector.load %arg1[%get3A_39, %get3A_40] : memref<8x151296xf32, #tpu.memory_space<vmem>>, vector<8x768xf32>
    %add3A_42 = arith.addf %add3A_38, %get3A_41 : vector<8x768xf32>
    %get3A_43 = arith.constant 0 : index
    %get3A_44 = arith.constant 33792 : index
    %get3A_45 = vector.load %arg1[%get3A_43, %get3A_44] : memref<8x151296xf32, #tpu.memory_space<vmem>>, vector<8x768xf32>
    %add3A_46 = arith.addf %add3A_42, %get3A_45 : vector<8x768xf32>
    %get3A_47 = arith.constant 0 : index
    %get3A_48 = arith.constant 36864 : index
    %get3A_49 = vector.load %arg1[%get3A_47, %get3A_48] : memref<8x151296xf32, #tpu.memory_space<vmem>>, vector<8x768xf32>
    %add3A_50 = arith.addf %add3A_46, %get3A_49 : vector<8x768xf32>
    %get3A_51 = arith.constant 0 : index
    %get3A_52 = arith.constant 39936 : index
    %get3A_53 = vector.load %arg1[%get3A_51, %get3A_52] : memref<8x151296xf32, #tpu.memory_space<vmem>>, vector<8x768xf32>
    %add3A_54 = arith.addf %add3A_50, %get3A_53 : vector<8x768xf32>
    %get3A_55 = arith.constant 0 : index
    %get3A_56 = arith.constant 43008 : index
    %get3A_57 = vector.load %arg1[%get3A_55, %get3A_56] : memref<8x151296xf32, #tpu.memory_space<vmem>>, vector<8x768xf32>
    %add3A_58 = arith.addf %add3A_54, %get3A_57 : vector<8x768xf32>
    %get3A_59 = arith.constant 0 : index
    %get3A_60 = arith.constant 46080 : index
    %get3A_61 = vector.load %arg1[%get3A_59, %get3A_60] : memref<8x151296xf32, #tpu.memory_space<vmem>>, vector<8x768xf32>
    %add3A_62 = arith.addf %add3A_58, %get3A_61 : vector<8x768xf32>
    %get3A_63 = arith.constant 0 : index
    %get3A_64 = arith.constant 49152 : index
    %get3A_65 = vector.load %arg1[%get3A_63, %get3A_64] : memref<8x151296xf32, #tpu.memory_space<vmem>>, vector<8x768xf32>
    %add3A_66 = arith.addf %add3A_62, %get3A_65 : vector<8x768xf32>
    %get3A_67 = arith.constant 0 : index
    %get3A_68 = arith.constant 52224 : index
    %get3A_69 = vector.load %arg1[%get3A_67, %get3A_68] : memref<8x151296xf32, #tpu.memory_space<vmem>>, vector<8x768xf32>
    %add3A_70 = arith.addf %add3A_66, %get3A_69 : vector<8x768xf32>
    %get3A_71 = arith.constant 0 : index
    %get3A_72 = arith.constant 55296 : index
    %get3A_73 = vector.load %arg1[%get3A_71, %get3A_72] : memref<8x151296xf32, #tpu.memory_space<vmem>>, vector<8x768xf32>
    %add3A_74 = arith.addf %add3A_70, %get3A_73 : vector<8x768xf32>
    %get3A_75 = arith.constant 0 : index
    %get3A_76 = arith.constant 58368 : index
    %get3A_77 = vector.load %arg1[%get3A_75, %get3A_76] : memref<8x151296xf32, #tpu.memory_space<vmem>>, vector<8x768xf32>
    %add3A_78 = arith.addf %add3A_74, %get3A_77 : vector<8x768xf32>
    %get3A_79 = arith.constant 0 : index
    %get3A_80 = arith.constant 61440 : index
    %get3A_81 = vector.load %arg1[%get3A_79, %get3A_80] : memref<8x151296xf32, #tpu.memory_space<vmem>>, vector<8x768xf32>
    %add3A_82 = arith.addf %add3A_78, %get3A_81 : vector<8x768xf32>
    %get3A_83 = arith.constant 0 : index
    %get3A_84 = arith.constant 64512 : index
    %get3A_85 = vector.load %arg1[%get3A_83, %get3A_84] : memref<8x151296xf32, #tpu.memory_space<vmem>>, vector<8x768xf32>
    %add3A_86 = arith.addf %add3A_82, %get3A_85 : vector<8x768xf32>
    %get3A_87 = arith.constant 0 : index
    %get3A_88 = arith.constant 67584 : index
    %get3A_89 = vector.load %arg1[%get3A_87, %get3A_88] : memref<8x151296xf32, #tpu.memory_space<vmem>>, vector<8x768xf32>
    %add3A_90 = arith.addf %add3A_86, %get3A_89 : vector<8x768xf32>
    %get3A_91 = arith.constant 0 : index
    %get3A_92 = arith.constant 70656 : index
    %get3A_93 = vector.load %arg1[%get3A_91, %get3A_92] : memref<8x151296xf32, #tpu.memory_space<vmem>>, vector<8x768xf32>
    %add3A_94 = arith.addf %add3A_90, %get3A_93 : vector<8x768xf32>
    %get3A_95 = arith.constant 0 : index
    %get3A_96 = arith.constant 73728 : index
    %get3A_97 = vector.load %arg1[%get3A_95, %get3A_96] : memref<8x151296xf32, #tpu.memory_space<vmem>>, vector<8x768xf32>
    %add3A_98 = arith.addf %add3A_94, %get3A_97 : vector<8x768xf32>
    %get3A_99 = arith.constant 0 : index
    %get3A_100 = arith.constant 76800 : index
    %get3A_101 = vector.load %arg1[%get3A_99, %get3A_100] : memref<8x151296xf32, #tpu.memory_space<vmem>>, vector<8x768xf32>
    %add3A_102 = arith.addf %add3A_98, %get3A_101 : vector<8x768xf32>
    %get3A_103 = arith.constant 0 : index
    %get3A_104 = arith.constant 79872 : index
    %get3A_105 = vector.load %arg1[%get3A_103, %get3A_104] : memref<8x151296xf32, #tpu.memory_space<vmem>>, vector<8x768xf32>
    %add3A_106 = arith.addf %add3A_102, %get3A_105 : vector<8x768xf32>
    %get3A_107 = arith.constant 0 : index
    %get3A_108 = arith.constant 82944 : index
    %get3A_109 = vector.load %arg1[%get3A_107, %get3A_108] : memref<8x151296xf32, #tpu.memory_space<vmem>>, vector<8x768xf32>
    %add3A_110 = arith.addf %add3A_106, %get3A_109 : vector<8x768xf32>
    %get3A_111 = arith.constant 0 : index
    %get3A_112 = arith.constant 86016 : index
    %get3A_113 = vector.load %arg1[%get3A_111, %get3A_112] : memref<8x151296xf32, #tpu.memory_space<vmem>>, vector<8x768xf32>
    %add3A_114 = arith.addf %add3A_110, %get3A_113 : vector<8x768xf32>
    %get3A_115 = arith.constant 0 : index
    %get3A_116 = arith.constant 89088 : index
    %get3A_117 = vector.load %arg1[%get3A_115, %get3A_116] : memref<8x151296xf32, #tpu.memory_space<vmem>>, vector<8x768xf32>
    %add3A_118 = arith.addf %add3A_114, %get3A_117 : vector<8x768xf32>
    %get3A_119 = arith.constant 0 : index
    %get3A_120 = arith.constant 92160 : index
    %get3A_121 = vector.load %arg1[%get3A_119, %get3A_120] : memref<8x151296xf32, #tpu.memory_space<vmem>>, vector<8x768xf32>
    %add3A_122 = arith.addf %add3A_118, %get3A_121 : vector<8x768xf32>
    %get3A_123 = arith.constant 0 : index
    %get3A_124 = arith.constant 95232 : index
    %get3A_125 = vector.load %arg1[%get3A_123, %get3A_124] : memref<8x151296xf32, #tpu.memory_space<vmem>>, vector<8x768xf32>
    %add3A_126 = arith.addf %add3A_122, %get3A_125 : vector<8x768xf32>
    %get3A_127 = arith.constant 0 : index
    %get3A_128 = arith.constant 98304 : index
    %get3A_129 = vector.load %arg1[%get3A_127, %get3A_128] : memref<8x151296xf32, #tpu.memory_space<vmem>>, vector<8x768xf32>
    %add3A_130 = arith.addf %add3A_126, %get3A_129 : vector<8x768xf32>
    %get3A_131 = arith.constant 0 : index
    %get3A_132 = arith.constant 101376 : index
    %get3A_133 = vector.load %arg1[%get3A_131, %get3A_132] : memref<8x151296xf32, #tpu.memory_space<vmem>>, vector<8x768xf32>
    %add3A_134 = arith.addf %add3A_130, %get3A_133 : vector<8x768xf32>
    %get3A_135 = arith.constant 0 : index
    %get3A_136 = arith.constant 104448 : index
    %get3A_137 = vector.load %arg1[%get3A_135, %get3A_136] : memref<8x151296xf32, #tpu.memory_space<vmem>>, vector<8x768xf32>
    %add3A_138 = arith.addf %add3A_134, %get3A_137 : vector<8x768xf32>
    %get3A_139 = arith.constant 0 : index
    %get3A_140 = arith.constant 107520 : index
    %get3A_141 = vector.load %arg1[%get3A_139, %get3A_140] : memref<8x151296xf32, #tpu.memory_space<vmem>>, vector<8x768xf32>
    %add3A_142 = arith.addf %add3A_138, %get3A_141 : vector<8x768xf32>
    %get3A_143 = arith.constant 0 : index
    %get3A_144 = arith.constant 110592 : index
    %get3A_145 = vector.load %arg1[%get3A_143, %get3A_144] : memref<8x151296xf32, #tpu.memory_space<vmem>>, vector<8x768xf32>
    %add3A_146 = arith.addf %add3A_142, %get3A_145 : vector<8x768xf32>
    %get3A_147 = arith.constant 0 : index
    %get3A_148 = arith.constant 113664 : index
    %get3A_149 = vector.load %arg1[%get3A_147, %get3A_148] : memref<8x151296xf32, #tpu.memory_space<vmem>>, vector<8x768xf32>
    %add3A_150 = arith.addf %add3A_146, %get3A_149 : vector<8x768xf32>
    %get3A_151 = arith.constant 0 : index
    %get3A_152 = arith.constant 116736 : index
    %get3A_153 = vector.load %arg1[%get3A_151, %get3A_152] : memref<8x151296xf32, #tpu.memory_space<vmem>>, vector<8x768xf32>
    %add3A_154 = arith.addf %add3A_150, %get3A_153 : vector<8x768xf32>
    %get3A_155 = arith.constant 0 : index
    %get3A_156 = arith.constant 119808 : index
    %get3A_157 = vector.load %arg1[%get3A_155, %get3A_156] : memref<8x151296xf32, #tpu.memory_space<vmem>>, vector<8x768xf32>
    %add3A_158 = arith.addf %add3A_154, %get3A_157 : vector<8x768xf32>
    %get3A_159 = arith.constant 0 : index
    %get3A_160 = arith.constant 122880 : index
    %get3A_161 = vector.load %arg1[%get3A_159, %get3A_160] : memref<8x151296xf32, #tpu.memory_space<vmem>>, vector<8x768xf32>
    %add3A_162 = arith.addf %add3A_158, %get3A_161 : vector<8x768xf32>
    %get3A_163 = arith.constant 0 : index
    %get3A_164 = arith.constant 125952 : index
    %get3A_165 = vector.load %arg1[%get3A_163, %get3A_164] : memref<8x151296xf32, #tpu.memory_space<vmem>>, vector<8x768xf32>
    %add3A_166 = arith.addf %add3A_162, %get3A_165 : vector<8x768xf32>
    %get3A_167 = arith.constant 0 : index
    %get3A_168 = arith.constant 129024 : index
    %get3A_169 = vector.load %arg1[%get3A_167, %get3A_168] : memref<8x151296xf32, #tpu.memory_space<vmem>>, vector<8x768xf32>
    %add3A_170 = arith.addf %add3A_166, %get3A_169 : vector<8x768xf32>
    %get3A_171 = arith.constant 0 : index
    %get3A_172 = arith.constant 132096 : index
    %get3A_173 = vector.load %arg1[%get3A_171, %get3A_172] : memref<8x151296xf32, #tpu.memory_space<vmem>>, vector<8x768xf32>
    %add3A_174 = arith.addf %add3A_170, %get3A_173 : vector<8x768xf32>
    %get3A_175 = arith.constant 0 : index
    %get3A_176 = arith.constant 135168 : index
    %get3A_177 = vector.load %arg1[%get3A_175, %get3A_176] : memref<8x151296xf32, #tpu.memory_space<vmem>>, vector<8x768xf32>
    %add3A_178 = arith.addf %add3A_174, %get3A_177 : vector<8x768xf32>
    %get3A_179 = arith.constant 0 : index
    %get3A_180 = arith.constant 138240 : index
    %get3A_181 = vector.load %arg1[%get3A_179, %get3A_180] : memref<8x151296xf32, #tpu.memory_space<vmem>>, vector<8x768xf32>
    %add3A_182 = arith.addf %add3A_178, %get3A_181 : vector<8x768xf32>
    %get3A_183 = arith.constant 0 : index
    %get3A_184 = arith.constant 141312 : index
    %get3A_185 = vector.load %arg1[%get3A_183, %get3A_184] : memref<8x151296xf32, #tpu.memory_space<vmem>>, vector<8x768xf32>
    %add3A_186 = arith.addf %add3A_182, %get3A_185 : vector<8x768xf32>
    %get3A_187 = arith.constant 0 : index
    %get3A_188 = arith.constant 144384 : index
    %get3A_189 = vector.load %arg1[%get3A_187, %get3A_188] : memref<8x151296xf32, #tpu.memory_space<vmem>>, vector<8x768xf32>
    %add3A_190 = arith.addf %add3A_186, %get3A_189 : vector<8x768xf32>
    %get3A_191 = arith.constant 0 : index
    %get3A_192 = arith.constant 147456 : index
    %get3A_193 = vector.load %arg1[%get3A_191, %get3A_192] : memref<8x151296xf32, #tpu.memory_space<vmem>>, vector<8x768xf32>
    %add3A_194 = arith.addf %add3A_190, %get3A_193 : vector<8x768xf32>
    %get3A_195 = arith.constant 0 : index
    %get3A_196 = arith.constant 150528 : index
    %get3A_197 = vector.load %arg1[%get3A_195, %get3A_196] : memref<8x151296xf32, #tpu.memory_space<vmem>>, vector<8x768xf32>
    %add3A_198 = arith.addf %add3A_194, %get3A_197 : vector<8x768xf32>
    %get3A_199 = arith.constant 0 : index
    %get3A_200 = arith.constant 768 : index
    %get3A_201 = vector.load %arg1[%get3A_199, %get3A_200] : memref<8x151296xf32, #tpu.memory_space<vmem>>, vector<8x768xf32>
    %get3A_202 = arith.constant 0 : index
    %get3A_203 = arith.constant 3840 : index
    %get3A_204 = vector.load %arg1[%get3A_202, %get3A_203] : memref<8x151296xf32, #tpu.memory_space<vmem>>, vector<8x768xf32>
    %add3A_205 = arith.addf %get3A_201, %get3A_204 : vector<8x768xf32>
    %get3A_206 = arith.constant 0 : index
    %get3A_207 = arith.constant 6912 : index
    %get3A_208 = vector.load %arg1[%get3A_206, %get3A_207] : memref<8x151296xf32, #tpu.memory_space<vmem>>, vector<8x768xf32>
    %add3A_209 = arith.addf %add3A_205, %get3A_208 : vector<8x768xf32>
    %get3A_210 = arith.constant 0 : index
    %get3A_211 = arith.constant 9984 : index
    %get3A_212 = vector.load %arg1[%get3A_210, %get3A_211] : memref<8x151296xf32, #tpu.memory_space<vmem>>, vector<8x768xf32>
    %add3A_213 = arith.addf %add3A_209, %get3A_212 : vector<8x768xf32>
    %get3A_214 = arith.constant 0 : index
    %get3A_215 = arith.constant 13056 : index
    %get3A_216 = vector.load %arg1[%get3A_214, %get3A_215] : memref<8x151296xf32, #tpu.memory_space<vmem>>, vector<8x768xf32>
    %add3A_217 = arith.addf %add3A_213, %get3A_216 : vector<8x768xf32>
    %get3A_218 = arith.constant 0 : index
    %get3A_219 = arith.constant 16128 : index
    %get3A_220 = vector.load %arg1[%get3A_218, %get3A_219] : memref<8x151296xf32, #tpu.memory_space<vmem>>, vector<8x768xf32>
    %add3A_221 = arith.addf %add3A_217, %get3A_220 : vector<8x768xf32>
    %get3A_222 = arith.constant 0 : index
    %get3A_223 = arith.constant 19200 : index
    %get3A_224 = vector.load %arg1[%get3A_222, %get3A_223] : memref<8x151296xf32, #tpu.memory_space<vmem>>, vector<8x768xf32>
    %add3A_225 = arith.addf %add3A_221, %get3A_224 : vector<8x768xf32>
    %get3A_226 = arith.constant 0 : index
    %get3A_227 = arith.constant 22272 : index
    %get3A_228 = vector.load %arg1[%get3A_226, %get3A_227] : memref<8x151296xf32, #tpu.memory_space<vmem>>, vector<8x768xf32>
    %add3A_229 = arith.addf %add3A_225, %get3A_228 : vector<8x768xf32>
    %get3A_230 = arith.constant 0 : index
    %get3A_231 = arith.constant 25344 : index
    %get3A_232 = vector.load %arg1[%get3A_230, %get3A_231] : memref<8x151296xf32, #tpu.memory_space<vmem>>, vector<8x768xf32>
    %add3A_233 = arith.addf %add3A_229, %get3A_232 : vector<8x768xf32>
    %get3A_234 = arith.constant 0 : index
    %get3A_235 = arith.constant 28416 : index
    %get3A_236 = vector.load %arg1[%get3A_234, %get3A_235] : memref<8x151296xf32, #tpu.memory_space<vmem>>, vector<8x768xf32>
    %add3A_237 = arith.addf %add3A_233, %get3A_236 : vector<8x768xf32>
    %get3A_238 = arith.constant 0 : index
    %get3A_239 = arith.constant 31488 : index
    %get3A_240 = vector.load %arg1[%get3A_238, %get3A_239] : memref<8x151296xf32, #tpu.memory_space<vmem>>, vector<8x768xf32>
    %add3A_241 = arith.addf %add3A_237, %get3A_240 : vector<8x768xf32>
    %get3A_242 = arith.constant 0 : index
    %get3A_243 = arith.constant 34560 : index
    %get3A_244 = vector.load %arg1[%get3A_242, %get3A_243] : memref<8x151296xf32, #tpu.memory_space<vmem>>, vector<8x768xf32>
    %add3A_245 = arith.addf %add3A_241, %get3A_244 : vector<8x768xf32>
    %get3A_246 = arith.constant 0 : index
    %get3A_247 = arith.constant 37632 : index
    %get3A_248 = vector.load %arg1[%get3A_246, %get3A_247] : memref<8x151296xf32, #tpu.memory_space<vmem>>, vector<8x768xf32>
    %add3A_249 = arith.addf %add3A_245, %get3A_248 : vector<8x768xf32>
    %get3A_250 = arith.constant 0 : index
    %get3A_251 = arith.constant 40704 : index
    %get3A_252 = vector.load %arg1[%get3A_250, %get3A_251] : memref<8x151296xf32, #tpu.memory_space<vmem>>, vector<8x768xf32>
    %add3A_253 = arith.addf %add3A_249, %get3A_252 : vector<8x768xf32>
    %get3A_254 = arith.constant 0 : index
    %get3A_255 = arith.constant 43776 : index
    %get3A_256 = vector.load %arg1[%get3A_254, %get3A_255] : memref<8x151296xf32, #tpu.memory_space<vmem>>, vector<8x768xf32>
    %add3A_257 = arith.addf %add3A_253, %get3A_256 : vector<8x768xf32>
    %get3A_258 = arith.constant 0 : index
    %get3A_259 = arith.constant 46848 : index
    %get3A_260 = vector.load %arg1[%get3A_258, %get3A_259] : memref<8x151296xf32, #tpu.memory_space<vmem>>, vector<8x768xf32>
    %add3A_261 = arith.addf %add3A_257, %get3A_260 : vector<8x768xf32>
    %get3A_262 = arith.constant 0 : index
    %get3A_263 = arith.constant 49920 : index
    %get3A_264 = vector.load %arg1[%get3A_262, %get3A_263] : memref<8x151296xf32, #tpu.memory_space<vmem>>, vector<8x768xf32>
    %add3A_265 = arith.addf %add3A_261, %get3A_264 : vector<8x768xf32>
    %get3A_266 = arith.constant 0 : index
    %get3A_267 = arith.constant 52992 : index
    %get3A_268 = vector.load %arg1[%get3A_266, %get3A_267] : memref<8x151296xf32, #tpu.memory_space<vmem>>, vector<8x768xf32>
    %add3A_269 = arith.addf %add3A_265, %get3A_268 : vector<8x768xf32>
    %get3A_270 = arith.constant 0 : index
    %get3A_271 = arith.constant 56064 : index
    %get3A_272 = vector.load %arg1[%get3A_270, %get3A_271] : memref<8x151296xf32, #tpu.memory_space<vmem>>, vector<8x768xf32>
    %add3A_273 = arith.addf %add3A_269, %get3A_272 : vector<8x768xf32>
    %get3A_274 = arith.constant 0 : index
    %get3A_275 = arith.constant 59136 : index
    %get3A_276 = vector.load %arg1[%get3A_274, %get3A_275] : memref<8x151296xf32, #tpu.memory_space<vmem>>, vector<8x768xf32>
    %add3A_277 = arith.addf %add3A_273, %get3A_276 : vector<8x768xf32>
    %get3A_278 = arith.constant 0 : index
    %get3A_279 = arith.constant 62208 : index
    %get3A_280 = vector.load %arg1[%get3A_278, %get3A_279] : memref<8x151296xf32, #tpu.memory_space<vmem>>, vector<8x768xf32>
    %add3A_281 = arith.addf %add3A_277, %get3A_280 : vector<8x768xf32>
    %get3A_282 = arith.constant 0 : index
    %get3A_283 = arith.constant 65280 : index
    %get3A_284 = vector.load %arg1[%get3A_282, %get3A_283] : memref<8x151296xf32, #tpu.memory_space<vmem>>, vector<8x768xf32>
    %add3A_285 = arith.addf %add3A_281, %get3A_284 : vector<8x768xf32>
    %get3A_286 = arith.constant 0 : index
    %get3A_287 = arith.constant 68352 : index
    %get3A_288 = vector.load %arg1[%get3A_286, %get3A_287] : memref<8x151296xf32, #tpu.memory_space<vmem>>, vector<8x768xf32>
    %add3A_289 = arith.addf %add3A_285, %get3A_288 : vector<8x768xf32>
    %get3A_290 = arith.constant 0 : index
    %get3A_291 = arith.constant 71424 : index
    %get3A_292 = vector.load %arg1[%get3A_290, %get3A_291] : memref<8x151296xf32, #tpu.memory_space<vmem>>, vector<8x768xf32>
    %add3A_293 = arith.addf %add3A_289, %get3A_292 : vector<8x768xf32>
    %get3A_294 = arith.constant 0 : index
    %get3A_295 = arith.constant 74496 : index
    %get3A_296 = vector.load %arg1[%get3A_294, %get3A_295] : memref<8x151296xf32, #tpu.memory_space<vmem>>, vector<8x768xf32>
    %add3A_297 = arith.addf %add3A_293, %get3A_296 : vector<8x768xf32>
    %get3A_298 = arith.constant 0 : index
    %get3A_299 = arith.constant 77568 : index
    %get3A_300 = vector.load %arg1[%get3A_298, %get3A_299] : memref<8x151296xf32, #tpu.memory_space<vmem>>, vector<8x768xf32>
    %add3A_301 = arith.addf %add3A_297, %get3A_300 : vector<8x768xf32>
    %get3A_302 = arith.constant 0 : index
    %get3A_303 = arith.constant 80640 : index
    %get3A_304 = vector.load %arg1[%get3A_302, %get3A_303] : memref<8x151296xf32, #tpu.memory_space<vmem>>, vector<8x768xf32>
    %add3A_305 = arith.addf %add3A_301, %get3A_304 : vector<8x768xf32>
    %get3A_306 = arith.constant 0 : index
    %get3A_307 = arith.constant 83712 : index
    %get3A_308 = vector.load %arg1[%get3A_306, %get3A_307] : memref<8x151296xf32, #tpu.memory_space<vmem>>, vector<8x768xf32>
    %add3A_309 = arith.addf %add3A_305, %get3A_308 : vector<8x768xf32>
    %get3A_310 = arith.constant 0 : index
    %get3A_311 = arith.constant 86784 : index
    %get3A_312 = vector.load %arg1[%get3A_310, %get3A_311] : memref<8x151296xf32, #tpu.memory_space<vmem>>, vector<8x768xf32>
    %add3A_313 = arith.addf %add3A_309, %get3A_312 : vector<8x768xf32>
    %get3A_314 = arith.constant 0 : index
    %get3A_315 = arith.constant 89856 : index
    %get3A_316 = vector.load %arg1[%get3A_314, %get3A_315] : memref<8x151296xf32, #tpu.memory_space<vmem>>, vector<8x768xf32>
    %add3A_317 = arith.addf %add3A_313, %get3A_316 : vector<8x768xf32>
    %get3A_318 = arith.constant 0 : index
    %get3A_319 = arith.constant 92928 : index
    %get3A_320 = vector.load %arg1[%get3A_318, %get3A_319] : memref<8x151296xf32, #tpu.memory_space<vmem>>, vector<8x768xf32>
    %add3A_321 = arith.addf %add3A_317, %get3A_320 : vector<8x768xf32>
    %get3A_322 = arith.constant 0 : index
    %get3A_323 = arith.constant 96000 : index
    %get3A_324 = vector.load %arg1[%get3A_322, %get3A_323] : memref<8x151296xf32, #tpu.memory_space<vmem>>, vector<8x768xf32>
    %add3A_325 = arith.addf %add3A_321, %get3A_324 : vector<8x768xf32>
    %get3A_326 = arith.constant 0 : index
    %get3A_327 = arith.constant 99072 : index
    %get3A_328 = vector.load %arg1[%get3A_326, %get3A_327] : memref<8x151296xf32, #tpu.memory_space<vmem>>, vector<8x768xf32>
    %add3A_329 = arith.addf %add3A_325, %get3A_328 : vector<8x768xf32>
    %get3A_330 = arith.constant 0 : index
    %get3A_331 = arith.constant 102144 : index
    %get3A_332 = vector.load %arg1[%get3A_330, %get3A_331] : memref<8x151296xf32, #tpu.memory_space<vmem>>, vector<8x768xf32>
    %add3A_333 = arith.addf %add3A_329, %get3A_332 : vector<8x768xf32>
    %get3A_334 = arith.constant 0 : index
    %get3A_335 = arith.constant 105216 : index
    %get3A_336 = vector.load %arg1[%get3A_334, %get3A_335] : memref<8x151296xf32, #tpu.memory_space<vmem>>, vector<8x768xf32>
    %add3A_337 = arith.addf %add3A_333, %get3A_336 : vector<8x768xf32>
    %get3A_338 = arith.constant 0 : index
    %get3A_339 = arith.constant 108288 : index
    %get3A_340 = vector.load %arg1[%get3A_338, %get3A_339] : memref<8x151296xf32, #tpu.memory_space<vmem>>, vector<8x768xf32>
    %add3A_341 = arith.addf %add3A_337, %get3A_340 : vector<8x768xf32>
    %get3A_342 = arith.constant 0 : index
    %get3A_343 = arith.constant 111360 : index
    %get3A_344 = vector.load %arg1[%get3A_342, %get3A_343] : memref<8x151296xf32, #tpu.memory_space<vmem>>, vector<8x768xf32>
    %add3A_345 = arith.addf %add3A_341, %get3A_344 : vector<8x768xf32>
    %get3A_346 = arith.constant 0 : index
    %get3A_347 = arith.constant 114432 : index
    %get3A_348 = vector.load %arg1[%get3A_346, %get3A_347] : memref<8x151296xf32, #tpu.memory_space<vmem>>, vector<8x768xf32>
    %add3A_349 = arith.addf %add3A_345, %get3A_348 : vector<8x768xf32>
    %get3A_350 = arith.constant 0 : index
    %get3A_351 = arith.constant 117504 : index
    %get3A_352 = vector.load %arg1[%get3A_350, %get3A_351] : memref<8x151296xf32, #tpu.memory_space<vmem>>, vector<8x768xf32>
    %add3A_353 = arith.addf %add3A_349, %get3A_352 : vector<8x768xf32>
    %get3A_354 = arith.constant 0 : index
    %get3A_355 = arith.constant 120576 : index
    %get3A_356 = vector.load %arg1[%get3A_354, %get3A_355] : memref<8x151296xf32, #tpu.memory_space<vmem>>, vector<8x768xf32>
    %add3A_357 = arith.addf %add3A_353, %get3A_356 : vector<8x768xf32>
    %get3A_358 = arith.constant 0 : index
    %get3A_359 = arith.constant 123648 : index
    %get3A_360 = vector.load %arg1[%get3A_358, %get3A_359] : memref<8x151296xf32, #tpu.memory_space<vmem>>, vector<8x768xf32>
    %add3A_361 = arith.addf %add3A_357, %get3A_360 : vector<8x768xf32>
    %get3A_362 = arith.constant 0 : index
    %get3A_363 = arith.constant 126720 : index
    %get3A_364 = vector.load %arg1[%get3A_362, %get3A_363] : memref<8x151296xf32, #tpu.memory_space<vmem>>, vector<8x768xf32>
    %add3A_365 = arith.addf %add3A_361, %get3A_364 : vector<8x768xf32>
    %get3A_366 = arith.constant 0 : index
    %get3A_367 = arith.constant 129792 : index
    %get3A_368 = vector.load %arg1[%get3A_366, %get3A_367] : memref<8x151296xf32, #tpu.memory_space<vmem>>, vector<8x768xf32>
    %add3A_369 = arith.addf %add3A_365, %get3A_368 : vector<8x768xf32>
    %get3A_370 = arith.constant 0 : index
    %get3A_371 = arith.constant 132864 : index
    %get3A_372 = vector.load %arg1[%get3A_370, %get3A_371] : memref<8x151296xf32, #tpu.memory_space<vmem>>, vector<8x768xf32>
    %add3A_373 = arith.addf %add3A_369, %get3A_372 : vector<8x768xf32>
    %get3A_374 = arith.constant 0 : index
    %get3A_375 = arith.constant 135936 : index
    %get3A_376 = vector.load %arg1[%get3A_374, %get3A_375] : memref<8x151296xf32, #tpu.memory_space<vmem>>, vector<8x768xf32>
    %add3A_377 = arith.addf %add3A_373, %get3A_376 : vector<8x768xf32>
    %get3A_378 = arith.constant 0 : index
    %get3A_379 = arith.constant 139008 : index
    %get3A_380 = vector.load %arg1[%get3A_378, %get3A_379] : memref<8x151296xf32, #tpu.memory_space<vmem>>, vector<8x768xf32>
    %add3A_381 = arith.addf %add3A_377, %get3A_380 : vector<8x768xf32>
    %get3A_382 = arith.constant 0 : index
    %get3A_383 = arith.constant 142080 : index
    %get3A_384 = vector.load %arg1[%get3A_382, %get3A_383] : memref<8x151296xf32, #tpu.memory_space<vmem>>, vector<8x768xf32>
    %add3A_385 = arith.addf %add3A_381, %get3A_384 : vector<8x768xf32>
    %get3A_386 = arith.constant 0 : index
    %get3A_387 = arith.constant 145152 : index
    %get3A_388 = vector.load %arg1[%get3A_386, %get3A_387] : memref<8x151296xf32, #tpu.memory_space<vmem>>, vector<8x768xf32>
    %add3A_389 = arith.addf %add3A_385, %get3A_388 : vector<8x768xf32>
    %get3A_390 = arith.constant 0 : index
    %get3A_391 = arith.constant 148224 : index
    %get3A_392 = vector.load %arg1[%get3A_390, %get3A_391] : memref<8x151296xf32, #tpu.memory_space<vmem>>, vector<8x768xf32>
    %add3A_393 = arith.addf %add3A_389, %get3A_392 : vector<8x768xf32>
    %get3A_394 = arith.constant 0 : index
    %get3A_395 = arith.constant 1536 : index
    %get3A_396 = vector.load %arg1[%get3A_394, %get3A_395] : memref<8x151296xf32, #tpu.memory_space<vmem>>, vector<8x768xf32>
    %get3A_397 = arith.constant 0 : index
    %get3A_398 = arith.constant 4608 : index
    %get3A_399 = vector.load %arg1[%get3A_397, %get3A_398] : memref<8x151296xf32, #tpu.memory_space<vmem>>, vector<8x768xf32>
    %add3A_400 = arith.addf %get3A_396, %get3A_399 : vector<8x768xf32>
    %get3A_401 = arith.constant 0 : index
    %get3A_402 = arith.constant 7680 : index
    %get3A_403 = vector.load %arg1[%get3A_401, %get3A_402] : memref<8x151296xf32, #tpu.memory_space<vmem>>, vector<8x768xf32>
    %add3A_404 = arith.addf %add3A_400, %get3A_403 : vector<8x768xf32>
    %get3A_405 = arith.constant 0 : index
    %get3A_406 = arith.constant 10752 : index
    %get3A_407 = vector.load %arg1[%get3A_405, %get3A_406] : memref<8x151296xf32, #tpu.memory_space<vmem>>, vector<8x768xf32>
    %add3A_408 = arith.addf %add3A_404, %get3A_407 : vector<8x768xf32>
    %get3A_409 = arith.constant 0 : index
    %get3A_410 = arith.constant 13824 : index
    %get3A_411 = vector.load %arg1[%get3A_409, %get3A_410] : memref<8x151296xf32, #tpu.memory_space<vmem>>, vector<8x768xf32>
    %add3A_412 = arith.addf %add3A_408, %get3A_411 : vector<8x768xf32>
    %get3A_413 = arith.constant 0 : index
    %get3A_414 = arith.constant 16896 : index
    %get3A_415 = vector.load %arg1[%get3A_413, %get3A_414] : memref<8x151296xf32, #tpu.memory_space<vmem>>, vector<8x768xf32>
    %add3A_416 = arith.addf %add3A_412, %get3A_415 : vector<8x768xf32>
    %get3A_417 = arith.constant 0 : index
    %get3A_418 = arith.constant 19968 : index
    %get3A_419 = vector.load %arg1[%get3A_417, %get3A_418] : memref<8x151296xf32, #tpu.memory_space<vmem>>, vector<8x768xf32>
    %add3A_420 = arith.addf %add3A_416, %get3A_419 : vector<8x768xf32>
    %get3A_421 = arith.constant 0 : index
    %get3A_422 = arith.constant 23040 : index
    %get3A_423 = vector.load %arg1[%get3A_421, %get3A_422] : memref<8x151296xf32, #tpu.memory_space<vmem>>, vector<8x768xf32>
    %add3A_424 = arith.addf %add3A_420, %get3A_423 : vector<8x768xf32>
    %get3A_425 = arith.constant 0 : index
    %get3A_426 = arith.constant 26112 : index
    %get3A_427 = vector.load %arg1[%get3A_425, %get3A_426] : memref<8x151296xf32, #tpu.memory_space<vmem>>, vector<8x768xf32>
    %add3A_428 = arith.addf %add3A_424, %get3A_427 : vector<8x768xf32>
    %get3A_429 = arith.constant 0 : index
    %get3A_430 = arith.constant 29184 : index
    %get3A_431 = vector.load %arg1[%get3A_429, %get3A_430] : memref<8x151296xf32, #tpu.memory_space<vmem>>, vector<8x768xf32>
    %add3A_432 = arith.addf %add3A_428, %get3A_431 : vector<8x768xf32>
    %get3A_433 = arith.constant 0 : index
    %get3A_434 = arith.constant 32256 : index
    %get3A_435 = vector.load %arg1[%get3A_433, %get3A_434] : memref<8x151296xf32, #tpu.memory_space<vmem>>, vector<8x768xf32>
    %add3A_436 = arith.addf %add3A_432, %get3A_435 : vector<8x768xf32>
    %get3A_437 = arith.constant 0 : index
    %get3A_438 = arith.constant 35328 : index
    %get3A_439 = vector.load %arg1[%get3A_437, %get3A_438] : memref<8x151296xf32, #tpu.memory_space<vmem>>, vector<8x768xf32>
    %add3A_440 = arith.addf %add3A_436, %get3A_439 : vector<8x768xf32>
    %get3A_441 = arith.constant 0 : index
    %get3A_442 = arith.constant 38400 : index
    %get3A_443 = vector.load %arg1[%get3A_441, %get3A_442] : memref<8x151296xf32, #tpu.memory_space<vmem>>, vector<8x768xf32>
    %add3A_444 = arith.addf %add3A_440, %get3A_443 : vector<8x768xf32>
    %get3A_445 = arith.constant 0 : index
    %get3A_446 = arith.constant 41472 : index
    %get3A_447 = vector.load %arg1[%get3A_445, %get3A_446] : memref<8x151296xf32, #tpu.memory_space<vmem>>, vector<8x768xf32>
    %add3A_448 = arith.addf %add3A_444, %get3A_447 : vector<8x768xf32>
    %get3A_449 = arith.constant 0 : index
    %get3A_450 = arith.constant 44544 : index
    %get3A_451 = vector.load %arg1[%get3A_449, %get3A_450] : memref<8x151296xf32, #tpu.memory_space<vmem>>, vector<8x768xf32>
    %add3A_452 = arith.addf %add3A_448, %get3A_451 : vector<8x768xf32>
    %get3A_453 = arith.constant 0 : index
    %get3A_454 = arith.constant 47616 : index
    %get3A_455 = vector.load %arg1[%get3A_453, %get3A_454] : memref<8x151296xf32, #tpu.memory_space<vmem>>, vector<8x768xf32>
    %add3A_456 = arith.addf %add3A_452, %get3A_455 : vector<8x768xf32>
    %get3A_457 = arith.constant 0 : index
    %get3A_458 = arith.constant 50688 : index
    %get3A_459 = vector.load %arg1[%get3A_457, %get3A_458] : memref<8x151296xf32, #tpu.memory_space<vmem>>, vector<8x768xf32>
    %add3A_460 = arith.addf %add3A_456, %get3A_459 : vector<8x768xf32>
    %get3A_461 = arith.constant 0 : index
    %get3A_462 = arith.constant 53760 : index
    %get3A_463 = vector.load %arg1[%get3A_461, %get3A_462] : memref<8x151296xf32, #tpu.memory_space<vmem>>, vector<8x768xf32>
    %add3A_464 = arith.addf %add3A_460, %get3A_463 : vector<8x768xf32>
    %get3A_465 = arith.constant 0 : index
    %get3A_466 = arith.constant 56832 : index
    %get3A_467 = vector.load %arg1[%get3A_465, %get3A_466] : memref<8x151296xf32, #tpu.memory_space<vmem>>, vector<8x768xf32>
    %add3A_468 = arith.addf %add3A_464, %get3A_467 : vector<8x768xf32>
    %get3A_469 = arith.constant 0 : index
    %get3A_470 = arith.constant 59904 : index
    %get3A_471 = vector.load %arg1[%get3A_469, %get3A_470] : memref<8x151296xf32, #tpu.memory_space<vmem>>, vector<8x768xf32>
    %add3A_472 = arith.addf %add3A_468, %get3A_471 : vector<8x768xf32>
    %get3A_473 = arith.constant 0 : index
    %get3A_474 = arith.constant 62976 : index
    %get3A_475 = vector.load %arg1[%get3A_473, %get3A_474] : memref<8x151296xf32, #tpu.memory_space<vmem>>, vector<8x768xf32>
    %add3A_476 = arith.addf %add3A_472, %get3A_475 : vector<8x768xf32>
    %get3A_477 = arith.constant 0 : index
    %get3A_478 = arith.constant 66048 : index
    %get3A_479 = vector.load %arg1[%get3A_477, %get3A_478] : memref<8x151296xf32, #tpu.memory_space<vmem>>, vector<8x768xf32>
    %add3A_480 = arith.addf %add3A_476, %get3A_479 : vector<8x768xf32>
    %get3A_481 = arith.constant 0 : index
    %get3A_482 = arith.constant 69120 : index
    %get3A_483 = vector.load %arg1[%get3A_481, %get3A_482] : memref<8x151296xf32, #tpu.memory_space<vmem>>, vector<8x768xf32>
    %add3A_484 = arith.addf %add3A_480, %get3A_483 : vector<8x768xf32>
    %get3A_485 = arith.constant 0 : index
    %get3A_486 = arith.constant 72192 : index
    %get3A_487 = vector.load %arg1[%get3A_485, %get3A_486] : memref<8x151296xf32, #tpu.memory_space<vmem>>, vector<8x768xf32>
    %add3A_488 = arith.addf %add3A_484, %get3A_487 : vector<8x768xf32>
    %get3A_489 = arith.constant 0 : index
    %get3A_490 = arith.constant 75264 : index
    %get3A_491 = vector.load %arg1[%get3A_489, %get3A_490] : memref<8x151296xf32, #tpu.memory_space<vmem>>, vector<8x768xf32>
    %add3A_492 = arith.addf %add3A_488, %get3A_491 : vector<8x768xf32>
    %get3A_493 = arith.constant 0 : index
    %get3A_494 = arith.constant 78336 : index
    %get3A_495 = vector.load %arg1[%get3A_493, %get3A_494] : memref<8x151296xf32, #tpu.memory_space<vmem>>, vector<8x768xf32>
    %add3A_496 = arith.addf %add3A_492, %get3A_495 : vector<8x768xf32>
    %get3A_497 = arith.constant 0 : index
    %get3A_498 = arith.constant 81408 : index
    %get3A_499 = vector.load %arg1[%get3A_497, %get3A_498] : memref<8x151296xf32, #tpu.memory_space<vmem>>, vector<8x768xf32>
    %add3A_500 = arith.addf %add3A_496, %get3A_499 : vector<8x768xf32>
    %get3A_501 = arith.constant 0 : index
    %get3A_502 = arith.constant 84480 : index
    %get3A_503 = vector.load %arg1[%get3A_501, %get3A_502] : memref<8x151296xf32, #tpu.memory_space<vmem>>, vector<8x768xf32>
    %add3A_504 = arith.addf %add3A_500, %get3A_503 : vector<8x768xf32>
    %get3A_505 = arith.constant 0 : index
    %get3A_506 = arith.constant 87552 : index
    %get3A_507 = vector.load %arg1[%get3A_505, %get3A_506] : memref<8x151296xf32, #tpu.memory_space<vmem>>, vector<8x768xf32>
    %add3A_508 = arith.addf %add3A_504, %get3A_507 : vector<8x768xf32>
    %get3A_509 = arith.constant 0 : index
    %get3A_510 = arith.constant 90624 : index
    %get3A_511 = vector.load %arg1[%get3A_509, %get3A_510] : memref<8x151296xf32, #tpu.memory_space<vmem>>, vector<8x768xf32>
    %add3A_512 = arith.addf %add3A_508, %get3A_511 : vector<8x768xf32>
    %get3A_513 = arith.constant 0 : index
    %get3A_514 = arith.constant 93696 : index
    %get3A_515 = vector.load %arg1[%get3A_513, %get3A_514] : memref<8x151296xf32, #tpu.memory_space<vmem>>, vector<8x768xf32>
    %add3A_516 = arith.addf %add3A_512, %get3A_515 : vector<8x768xf32>
    %get3A_517 = arith.constant 0 : index
    %get3A_518 = arith.constant 96768 : index
    %get3A_519 = vector.load %arg1[%get3A_517, %get3A_518] : memref<8x151296xf32, #tpu.memory_space<vmem>>, vector<8x768xf32>
    %add3A_520 = arith.addf %add3A_516, %get3A_519 : vector<8x768xf32>
    %get3A_521 = arith.constant 0 : index
    %get3A_522 = arith.constant 99840 : index
    %get3A_523 = vector.load %arg1[%get3A_521, %get3A_522] : memref<8x151296xf32, #tpu.memory_space<vmem>>, vector<8x768xf32>
    %add3A_524 = arith.addf %add3A_520, %get3A_523 : vector<8x768xf32>
    %get3A_525 = arith.constant 0 : index
    %get3A_526 = arith.constant 102912 : index
    %get3A_527 = vector.load %arg1[%get3A_525, %get3A_526] : memref<8x151296xf32, #tpu.memory_space<vmem>>, vector<8x768xf32>
    %add3A_528 = arith.addf %add3A_524, %get3A_527 : vector<8x768xf32>
    %get3A_529 = arith.constant 0 : index
    %get3A_530 = arith.constant 105984 : index
    %get3A_531 = vector.load %arg1[%get3A_529, %get3A_530] : memref<8x151296xf32, #tpu.memory_space<vmem>>, vector<8x768xf32>
    %add3A_532 = arith.addf %add3A_528, %get3A_531 : vector<8x768xf32>
    %get3A_533 = arith.constant 0 : index
    %get3A_534 = arith.constant 109056 : index
    %get3A_535 = vector.load %arg1[%get3A_533, %get3A_534] : memref<8x151296xf32, #tpu.memory_space<vmem>>, vector<8x768xf32>
    %add3A_536 = arith.addf %add3A_532, %get3A_535 : vector<8x768xf32>
    %get3A_537 = arith.constant 0 : index
    %get3A_538 = arith.constant 112128 : index
    %get3A_539 = vector.load %arg1[%get3A_537, %get3A_538] : memref<8x151296xf32, #tpu.memory_space<vmem>>, vector<8x768xf32>
    %add3A_540 = arith.addf %add3A_536, %get3A_539 : vector<8x768xf32>
    %get3A_541 = arith.constant 0 : index
    %get3A_542 = arith.constant 115200 : index
    %get3A_543 = vector.load %arg1[%get3A_541, %get3A_542] : memref<8x151296xf32, #tpu.memory_space<vmem>>, vector<8x768xf32>
    %add3A_544 = arith.addf %add3A_540, %get3A_543 : vector<8x768xf32>
    %get3A_545 = arith.constant 0 : index
    %get3A_546 = arith.constant 118272 : index
    %get3A_547 = vector.load %arg1[%get3A_545, %get3A_546] : memref<8x151296xf32, #tpu.memory_space<vmem>>, vector<8x768xf32>
    %add3A_548 = arith.addf %add3A_544, %get3A_547 : vector<8x768xf32>
    %get3A_549 = arith.constant 0 : index
    %get3A_550 = arith.constant 121344 : index
    %get3A_551 = vector.load %arg1[%get3A_549, %get3A_550] : memref<8x151296xf32, #tpu.memory_space<vmem>>, vector<8x768xf32>
    %add3A_552 = arith.addf %add3A_548, %get3A_551 : vector<8x768xf32>
    %get3A_553 = arith.constant 0 : index
    %get3A_554 = arith.constant 124416 : index
    %get3A_555 = vector.load %arg1[%get3A_553, %get3A_554] : memref<8x151296xf32, #tpu.memory_space<vmem>>, vector<8x768xf32>
    %add3A_556 = arith.addf %add3A_552, %get3A_555 : vector<8x768xf32>
    %get3A_557 = arith.constant 0 : index
    %get3A_558 = arith.constant 127488 : index
    %get3A_559 = vector.load %arg1[%get3A_557, %get3A_558] : memref<8x151296xf32, #tpu.memory_space<vmem>>, vector<8x768xf32>
    %add3A_560 = arith.addf %add3A_556, %get3A_559 : vector<8x768xf32>
    %get3A_561 = arith.constant 0 : index
    %get3A_562 = arith.constant 130560 : index
    %get3A_563 = vector.load %arg1[%get3A_561, %get3A_562] : memref<8x151296xf32, #tpu.memory_space<vmem>>, vector<8x768xf32>
    %add3A_564 = arith.addf %add3A_560, %get3A_563 : vector<8x768xf32>
    %get3A_565 = arith.constant 0 : index
    %get3A_566 = arith.constant 133632 : index
    %get3A_567 = vector.load %arg1[%get3A_565, %get3A_566] : memref<8x151296xf32, #tpu.memory_space<vmem>>, vector<8x768xf32>
    %add3A_568 = arith.addf %add3A_564, %get3A_567 : vector<8x768xf32>
    %get3A_569 = arith.constant 0 : index
    %get3A_570 = arith.constant 136704 : index
    %get3A_571 = vector.load %arg1[%get3A_569, %get3A_570] : memref<8x151296xf32, #tpu.memory_space<vmem>>, vector<8x768xf32>
    %add3A_572 = arith.addf %add3A_568, %get3A_571 : vector<8x768xf32>
    %get3A_573 = arith.constant 0 : index
    %get3A_574 = arith.constant 139776 : index
    %get3A_575 = vector.load %arg1[%get3A_573, %get3A_574] : memref<8x151296xf32, #tpu.memory_space<vmem>>, vector<8x768xf32>
    %add3A_576 = arith.addf %add3A_572, %get3A_575 : vector<8x768xf32>
    %get3A_577 = arith.constant 0 : index
    %get3A_578 = arith.constant 142848 : index
    %get3A_579 = vector.load %arg1[%get3A_577, %get3A_578] : memref<8x151296xf32, #tpu.memory_space<vmem>>, vector<8x768xf32>
    %add3A_580 = arith.addf %add3A_576, %get3A_579 : vector<8x768xf32>
    %get3A_581 = arith.constant 0 : index
    %get3A_582 = arith.constant 145920 : index
    %get3A_583 = vector.load %arg1[%get3A_581, %get3A_582] : memref<8x151296xf32, #tpu.memory_space<vmem>>, vector<8x768xf32>
    %add3A_584 = arith.addf %add3A_580, %get3A_583 : vector<8x768xf32>
    %get3A_585 = arith.constant 0 : index
    %get3A_586 = arith.constant 148992 : index
    %get3A_587 = vector.load %arg1[%get3A_585, %get3A_586] : memref<8x151296xf32, #tpu.memory_space<vmem>>, vector<8x768xf32>
    %add3A_588 = arith.addf %add3A_584, %get3A_587 : vector<8x768xf32>
    %get3A_589 = arith.constant 0 : index
    %get3A_590 = arith.constant 2304 : index
    %get3A_591 = vector.load %arg1[%get3A_589, %get3A_590] : memref<8x151296xf32, #tpu.memory_space<vmem>>, vector<8x768xf32>
    %get3A_592 = arith.constant 0 : index
    %get3A_593 = arith.constant 5376 : index
    %get3A_594 = vector.load %arg1[%get3A_592, %get3A_593] : memref<8x151296xf32, #tpu.memory_space<vmem>>, vector<8x768xf32>
    %add3A_595 = arith.addf %get3A_591, %get3A_594 : vector<8x768xf32>
    %get3A_596 = arith.constant 0 : index
    %get3A_597 = arith.constant 8448 : index
    %get3A_598 = vector.load %arg1[%get3A_596, %get3A_597] : memref<8x151296xf32, #tpu.memory_space<vmem>>, vector<8x768xf32>
    %add3A_599 = arith.addf %add3A_595, %get3A_598 : vector<8x768xf32>
    %get3A_600 = arith.constant 0 : index
    %get3A_601 = arith.constant 11520 : index
    %get3A_602 = vector.load %arg1[%get3A_600, %get3A_601] : memref<8x151296xf32, #tpu.memory_space<vmem>>, vector<8x768xf32>
    %add3A_603 = arith.addf %add3A_599, %get3A_602 : vector<8x768xf32>
    %get3A_604 = arith.constant 0 : index
    %get3A_605 = arith.constant 14592 : index
    %get3A_606 = vector.load %arg1[%get3A_604, %get3A_605] : memref<8x151296xf32, #tpu.memory_space<vmem>>, vector<8x768xf32>
    %add3A_607 = arith.addf %add3A_603, %get3A_606 : vector<8x768xf32>
    %get3A_608 = arith.constant 0 : index
    %get3A_609 = arith.constant 17664 : index
    %get3A_610 = vector.load %arg1[%get3A_608, %get3A_609] : memref<8x151296xf32, #tpu.memory_space<vmem>>, vector<8x768xf32>
    %add3A_611 = arith.addf %add3A_607, %get3A_610 : vector<8x768xf32>
    %get3A_612 = arith.constant 0 : index
    %get3A_613 = arith.constant 20736 : index
    %get3A_614 = vector.load %arg1[%get3A_612, %get3A_613] : memref<8x151296xf32, #tpu.memory_space<vmem>>, vector<8x768xf32>
    %add3A_615 = arith.addf %add3A_611, %get3A_614 : vector<8x768xf32>
    %get3A_616 = arith.constant 0 : index
    %get3A_617 = arith.constant 23808 : index
    %get3A_618 = vector.load %arg1[%get3A_616, %get3A_617] : memref<8x151296xf32, #tpu.memory_space<vmem>>, vector<8x768xf32>
    %add3A_619 = arith.addf %add3A_615, %get3A_618 : vector<8x768xf32>
    %get3A_620 = arith.constant 0 : index
    %get3A_621 = arith.constant 26880 : index
    %get3A_622 = vector.load %arg1[%get3A_620, %get3A_621] : memref<8x151296xf32, #tpu.memory_space<vmem>>, vector<8x768xf32>
    %add3A_623 = arith.addf %add3A_619, %get3A_622 : vector<8x768xf32>
    %get3A_624 = arith.constant 0 : index
    %get3A_625 = arith.constant 29952 : index
    %get3A_626 = vector.load %arg1[%get3A_624, %get3A_625] : memref<8x151296xf32, #tpu.memory_space<vmem>>, vector<8x768xf32>
    %add3A_627 = arith.addf %add3A_623, %get3A_626 : vector<8x768xf32>
    %get3A_628 = arith.constant 0 : index
    %get3A_629 = arith.constant 33024 : index
    %get3A_630 = vector.load %arg1[%get3A_628, %get3A_629] : memref<8x151296xf32, #tpu.memory_space<vmem>>, vector<8x768xf32>
    %add3A_631 = arith.addf %add3A_627, %get3A_630 : vector<8x768xf32>
    %get3A_632 = arith.constant 0 : index
    %get3A_633 = arith.constant 36096 : index
    %get3A_634 = vector.load %arg1[%get3A_632, %get3A_633] : memref<8x151296xf32, #tpu.memory_space<vmem>>, vector<8x768xf32>
    %add3A_635 = arith.addf %add3A_631, %get3A_634 : vector<8x768xf32>
    %get3A_636 = arith.constant 0 : index
    %get3A_637 = arith.constant 39168 : index
    %get3A_638 = vector.load %arg1[%get3A_636, %get3A_637] : memref<8x151296xf32, #tpu.memory_space<vmem>>, vector<8x768xf32>
    %add3A_639 = arith.addf %add3A_635, %get3A_638 : vector<8x768xf32>
    %get3A_640 = arith.constant 0 : index
    %get3A_641 = arith.constant 42240 : index
    %get3A_642 = vector.load %arg1[%get3A_640, %get3A_641] : memref<8x151296xf32, #tpu.memory_space<vmem>>, vector<8x768xf32>
    %add3A_643 = arith.addf %add3A_639, %get3A_642 : vector<8x768xf32>
    %get3A_644 = arith.constant 0 : index
    %get3A_645 = arith.constant 45312 : index
    %get3A_646 = vector.load %arg1[%get3A_644, %get3A_645] : memref<8x151296xf32, #tpu.memory_space<vmem>>, vector<8x768xf32>
    %add3A_647 = arith.addf %add3A_643, %get3A_646 : vector<8x768xf32>
    %get3A_648 = arith.constant 0 : index
    %get3A_649 = arith.constant 48384 : index
    %get3A_650 = vector.load %arg1[%get3A_648, %get3A_649] : memref<8x151296xf32, #tpu.memory_space<vmem>>, vector<8x768xf32>
    %add3A_651 = arith.addf %add3A_647, %get3A_650 : vector<8x768xf32>
    %get3A_652 = arith.constant 0 : index
    %get3A_653 = arith.constant 51456 : index
    %get3A_654 = vector.load %arg1[%get3A_652, %get3A_653] : memref<8x151296xf32, #tpu.memory_space<vmem>>, vector<8x768xf32>
    %add3A_655 = arith.addf %add3A_651, %get3A_654 : vector<8x768xf32>
    %get3A_656 = arith.constant 0 : index
    %get3A_657 = arith.constant 54528 : index
    %get3A_658 = vector.load %arg1[%get3A_656, %get3A_657] : memref<8x151296xf32, #tpu.memory_space<vmem>>, vector<8x768xf32>
    %add3A_659 = arith.addf %add3A_655, %get3A_658 : vector<8x768xf32>
    %get3A_660 = arith.constant 0 : index
    %get3A_661 = arith.constant 57600 : index
    %get3A_662 = vector.load %arg1[%get3A_660, %get3A_661] : memref<8x151296xf32, #tpu.memory_space<vmem>>, vector<8x768xf32>
    %add3A_663 = arith.addf %add3A_659, %get3A_662 : vector<8x768xf32>
    %get3A_664 = arith.constant 0 : index
    %get3A_665 = arith.constant 60672 : index
    %get3A_666 = vector.load %arg1[%get3A_664, %get3A_665] : memref<8x151296xf32, #tpu.memory_space<vmem>>, vector<8x768xf32>
    %add3A_667 = arith.addf %add3A_663, %get3A_666 : vector<8x768xf32>
    %get3A_668 = arith.constant 0 : index
    %get3A_669 = arith.constant 63744 : index
    %get3A_670 = vector.load %arg1[%get3A_668, %get3A_669] : memref<8x151296xf32, #tpu.memory_space<vmem>>, vector<8x768xf32>
    %add3A_671 = arith.addf %add3A_667, %get3A_670 : vector<8x768xf32>
    %get3A_672 = arith.constant 0 : index
    %get3A_673 = arith.constant 66816 : index
    %get3A_674 = vector.load %arg1[%get3A_672, %get3A_673] : memref<8x151296xf32, #tpu.memory_space<vmem>>, vector<8x768xf32>
    %add3A_675 = arith.addf %add3A_671, %get3A_674 : vector<8x768xf32>
    %get3A_676 = arith.constant 0 : index
    %get3A_677 = arith.constant 69888 : index
    %get3A_678 = vector.load %arg1[%get3A_676, %get3A_677] : memref<8x151296xf32, #tpu.memory_space<vmem>>, vector<8x768xf32>
    %add3A_679 = arith.addf %add3A_675, %get3A_678 : vector<8x768xf32>
    %get3A_680 = arith.constant 0 : index
    %get3A_681 = arith.constant 72960 : index
    %get3A_682 = vector.load %arg1[%get3A_680, %get3A_681] : memref<8x151296xf32, #tpu.memory_space<vmem>>, vector<8x768xf32>
    %add3A_683 = arith.addf %add3A_679, %get3A_682 : vector<8x768xf32>
    %get3A_684 = arith.constant 0 : index
    %get3A_685 = arith.constant 76032 : index
    %get3A_686 = vector.load %arg1[%get3A_684, %get3A_685] : memref<8x151296xf32, #tpu.memory_space<vmem>>, vector<8x768xf32>
    %add3A_687 = arith.addf %add3A_683, %get3A_686 : vector<8x768xf32>
    %get3A_688 = arith.constant 0 : index
    %get3A_689 = arith.constant 79104 : index
    %get3A_690 = vector.load %arg1[%get3A_688, %get3A_689] : memref<8x151296xf32, #tpu.memory_space<vmem>>, vector<8x768xf32>
    %add3A_691 = arith.addf %add3A_687, %get3A_690 : vector<8x768xf32>
    %get3A_692 = arith.constant 0 : index
    %get3A_693 = arith.constant 82176 : index
    %get3A_694 = vector.load %arg1[%get3A_692, %get3A_693] : memref<8x151296xf32, #tpu.memory_space<vmem>>, vector<8x768xf32>
    %add3A_695 = arith.addf %add3A_691, %get3A_694 : vector<8x768xf32>
    %get3A_696 = arith.constant 0 : index
    %get3A_697 = arith.constant 85248 : index
    %get3A_698 = vector.load %arg1[%get3A_696, %get3A_697] : memref<8x151296xf32, #tpu.memory_space<vmem>>, vector<8x768xf32>
    %add3A_699 = arith.addf %add3A_695, %get3A_698 : vector<8x768xf32>
    %get3A_700 = arith.constant 0 : index
    %get3A_701 = arith.constant 88320 : index
    %get3A_702 = vector.load %arg1[%get3A_700, %get3A_701] : memref<8x151296xf32, #tpu.memory_space<vmem>>, vector<8x768xf32>
    %add3A_703 = arith.addf %add3A_699, %get3A_702 : vector<8x768xf32>
    %get3A_704 = arith.constant 0 : index
    %get3A_705 = arith.constant 91392 : index
    %get3A_706 = vector.load %arg1[%get3A_704, %get3A_705] : memref<8x151296xf32, #tpu.memory_space<vmem>>, vector<8x768xf32>
    %add3A_707 = arith.addf %add3A_703, %get3A_706 : vector<8x768xf32>
    %get3A_708 = arith.constant 0 : index
    %get3A_709 = arith.constant 94464 : index
    %get3A_710 = vector.load %arg1[%get3A_708, %get3A_709] : memref<8x151296xf32, #tpu.memory_space<vmem>>, vector<8x768xf32>
    %add3A_711 = arith.addf %add3A_707, %get3A_710 : vector<8x768xf32>
    %get3A_712 = arith.constant 0 : index
    %get3A_713 = arith.constant 97536 : index
    %get3A_714 = vector.load %arg1[%get3A_712, %get3A_713] : memref<8x151296xf32, #tpu.memory_space<vmem>>, vector<8x768xf32>
    %add3A_715 = arith.addf %add3A_711, %get3A_714 : vector<8x768xf32>
    %get3A_716 = arith.constant 0 : index
    %get3A_717 = arith.constant 100608 : index
    %get3A_718 = vector.load %arg1[%get3A_716, %get3A_717] : memref<8x151296xf32, #tpu.memory_space<vmem>>, vector<8x768xf32>
    %add3A_719 = arith.addf %add3A_715, %get3A_718 : vector<8x768xf32>
    %get3A_720 = arith.constant 0 : index
    %get3A_721 = arith.constant 103680 : index
    %get3A_722 = vector.load %arg1[%get3A_720, %get3A_721] : memref<8x151296xf32, #tpu.memory_space<vmem>>, vector<8x768xf32>
    %add3A_723 = arith.addf %add3A_719, %get3A_722 : vector<8x768xf32>
    %get3A_724 = arith.constant 0 : index
    %get3A_725 = arith.constant 106752 : index
    %get3A_726 = vector.load %arg1[%get3A_724, %get3A_725] : memref<8x151296xf32, #tpu.memory_space<vmem>>, vector<8x768xf32>
    %add3A_727 = arith.addf %add3A_723, %get3A_726 : vector<8x768xf32>
    %get3A_728 = arith.constant 0 : index
    %get3A_729 = arith.constant 109824 : index
    %get3A_730 = vector.load %arg1[%get3A_728, %get3A_729] : memref<8x151296xf32, #tpu.memory_space<vmem>>, vector<8x768xf32>
    %add3A_731 = arith.addf %add3A_727, %get3A_730 : vector<8x768xf32>
    %get3A_732 = arith.constant 0 : index
    %get3A_733 = arith.constant 112896 : index
    %get3A_734 = vector.load %arg1[%get3A_732, %get3A_733] : memref<8x151296xf32, #tpu.memory_space<vmem>>, vector<8x768xf32>
    %add3A_735 = arith.addf %add3A_731, %get3A_734 : vector<8x768xf32>
    %get3A_736 = arith.constant 0 : index
    %get3A_737 = arith.constant 115968 : index
    %get3A_738 = vector.load %arg1[%get3A_736, %get3A_737] : memref<8x151296xf32, #tpu.memory_space<vmem>>, vector<8x768xf32>
    %add3A_739 = arith.addf %add3A_735, %get3A_738 : vector<8x768xf32>
    %get3A_740 = arith.constant 0 : index
    %get3A_741 = arith.constant 119040 : index
    %get3A_742 = vector.load %arg1[%get3A_740, %get3A_741] : memref<8x151296xf32, #tpu.memory_space<vmem>>, vector<8x768xf32>
    %add3A_743 = arith.addf %add3A_739, %get3A_742 : vector<8x768xf32>
    %get3A_744 = arith.constant 0 : index
    %get3A_745 = arith.constant 122112 : index
    %get3A_746 = vector.load %arg1[%get3A_744, %get3A_745] : memref<8x151296xf32, #tpu.memory_space<vmem>>, vector<8x768xf32>
    %add3A_747 = arith.addf %add3A_743, %get3A_746 : vector<8x768xf32>
    %get3A_748 = arith.constant 0 : index
    %get3A_749 = arith.constant 125184 : index
    %get3A_750 = vector.load %arg1[%get3A_748, %get3A_749] : memref<8x151296xf32, #tpu.memory_space<vmem>>, vector<8x768xf32>
    %add3A_751 = arith.addf %add3A_747, %get3A_750 : vector<8x768xf32>
    %get3A_752 = arith.constant 0 : index
    %get3A_753 = arith.constant 128256 : index
    %get3A_754 = vector.load %arg1[%get3A_752, %get3A_753] : memref<8x151296xf32, #tpu.memory_space<vmem>>, vector<8x768xf32>
    %add3A_755 = arith.addf %add3A_751, %get3A_754 : vector<8x768xf32>
    %get3A_756 = arith.constant 0 : index
    %get3A_757 = arith.constant 131328 : index
    %get3A_758 = vector.load %arg1[%get3A_756, %get3A_757] : memref<8x151296xf32, #tpu.memory_space<vmem>>, vector<8x768xf32>
    %add3A_759 = arith.addf %add3A_755, %get3A_758 : vector<8x768xf32>
    %get3A_760 = arith.constant 0 : index
    %get3A_761 = arith.constant 134400 : index
    %get3A_762 = vector.load %arg1[%get3A_760, %get3A_761] : memref<8x151296xf32, #tpu.memory_space<vmem>>, vector<8x768xf32>
    %add3A_763 = arith.addf %add3A_759, %get3A_762 : vector<8x768xf32>
    %get3A_764 = arith.constant 0 : index
    %get3A_765 = arith.constant 137472 : index
    %get3A_766 = vector.load %arg1[%get3A_764, %get3A_765] : memref<8x151296xf32, #tpu.memory_space<vmem>>, vector<8x768xf32>
    %add3A_767 = arith.addf %add3A_763, %get3A_766 : vector<8x768xf32>
    %get3A_768 = arith.constant 0 : index
    %get3A_769 = arith.constant 140544 : index
    %get3A_770 = vector.load %arg1[%get3A_768, %get3A_769] : memref<8x151296xf32, #tpu.memory_space<vmem>>, vector<8x768xf32>
    %add3A_771 = arith.addf %add3A_767, %get3A_770 : vector<8x768xf32>
    %get3A_772 = arith.constant 0 : index
    %get3A_773 = arith.constant 143616 : index
    %get3A_774 = vector.load %arg1[%get3A_772, %get3A_773] : memref<8x151296xf32, #tpu.memory_space<vmem>>, vector<8x768xf32>
    %add3A_775 = arith.addf %add3A_771, %get3A_774 : vector<8x768xf32>
    %get3A_776 = arith.constant 0 : index
    %get3A_777 = arith.constant 146688 : index
    %get3A_778 = vector.load %arg1[%get3A_776, %get3A_777] : memref<8x151296xf32, #tpu.memory_space<vmem>>, vector<8x768xf32>
    %add3A_779 = arith.addf %add3A_775, %get3A_778 : vector<8x768xf32>
    %get3A_780 = arith.constant 0 : index
    %get3A_781 = arith.constant 149760 : index
    %get3A_782 = vector.load %arg1[%get3A_780, %get3A_781] : memref<8x151296xf32, #tpu.memory_space<vmem>>, vector<8x768xf32>
    %add3A_783 = arith.addf %add3A_779, %get3A_782 : vector<8x768xf32>
    %add3A_784 = arith.addf %add3A_198, %add3A_393 : vector<8x768xf32>
    %add3A_785 = arith.addf %add3A_588, %add3A_783 : vector<8x768xf32>
    %add3A_786 = arith.addf %add3A_784, %add3A_785 : vector<8x768xf32>
    %mul3A_787 = arith.constant 0.00507614203 : f32
    %mul3A_788 = vector.broadcast %mul3A_787 : f32 to vector<8x768xf32>
    %mul3A_789 = arith.mulf %add3A_786, %mul3A_788 : vector<8x768xf32>
    %mul3A_790 = arith.mulf %mul3A_789, %mul3A_789 : vector<8x768xf32>
    %reduce_sum3A = arith.constant dense<0.000000e+00> : vector<8xf32>
    %reduce_sum3A_791 = vector.multi_reduction <add>, %mul3A_790, %reduce_sum3A [1] : vector<8x768xf32> to vector<8xf32>
    %broadcast_in_dim3A = vector.shape_cast %reduce_sum3A_791 : vector<8xf32> to vector<8x1xf32>
    %max3A = arith.constant 9.99999996E-13 : f32
    %max3A_792 = vector.broadcast %max3A : f32 to vector<8x1xf32>
    %max3A_793 = arith.maximumf %broadcast_in_dim3A, %max3A_792 : vector<8x1xf32>
    %rsqrt3A = math.rsqrt %max3A_793 : vector<8x1xf32>
    %mul3A_794 = vector.broadcast %rsqrt3A : vector<8x1xf32> to vector<8x768xf32>
    %mul3A_795 = arith.mulf %mul3A_789, %mul3A_794 : vector<8x768xf32>
    %mul3A_796 = arith.constant 1.000000e-01 : f32
    %mul3A_797 = vector.broadcast %mul3A_796 : f32 to vector<8x768xf32>
    %mul3A_798 = arith.mulf %mul3A_795, %mul3A_797 : vector<8x768xf32>
    %mul3A_799 = arith.mulf %mul3A_798, %mul3A_798 : vector<8x768xf32>
    %reduce_sum3A_800 = arith.constant dense<0.000000e+00> : vector<8xf32>
    %reduce_sum3A_801 = vector.multi_reduction <add>, %mul3A_799, %reduce_sum3A_800 [1] : vector<8x768xf32> to vector<8xf32>
    %broadcast_in_dim3A_802 = vector.shape_cast %reduce_sum3A_801 : vector<8xf32> to vector<8x1xf32>
    %sqrt3A = math.sqrt %broadcast_in_dim3A_802 : vector<8x1xf32>
    %max3A_803 = arith.constant 1.000000e-15 : f32
    %max3A_804 = vector.broadcast %max3A_803 : f32 to vector<8x1xf32>
    %max3A_805 = arith.maximumf %sqrt3A, %max3A_804 : vector<8x1xf32>
    %tanh3A = math.tanh %max3A_805 : vector<8x1xf32>
    %mul3A_806 = vector.broadcast %tanh3A : vector<8x1xf32> to vector<8x768xf32>
    %mul3A_807 = arith.mulf %mul3A_806, %mul3A_798 : vector<8x768xf32>
    %div3A = vector.broadcast %max3A_805 : vector<8x1xf32> to vector<8x768xf32>
    %div3A_808 = arith.divf %mul3A_807, %div3A : vector<8x768xf32>
    %mul3A_809 = arith.mulf %div3A_808, %div3A_808 : vector<8x768xf32>
    %reduce_sum3A_810 = arith.constant dense<0.000000e+00> : vector<8xf32>
    %reduce_sum3A_811 = vector.multi_reduction <add>, %mul3A_809, %reduce_sum3A_810 [1] : vector<8x768xf32> to vector<8xf32>
    %broadcast_in_dim3A_812 = vector.shape_cast %reduce_sum3A_811 : vector<8xf32> to vector<8x1xf32>
    %sqrt3A_813 = math.sqrt %broadcast_in_dim3A_812 : vector<8x1xf32>
    %max3A_814 = arith.constant 1.000000e-15 : f32
    %max3A_815 = vector.broadcast %max3A_814 : f32 to vector<8x1xf32>
    %max3A_816 = arith.maximumf %sqrt3A_813, %max3A_815 : vector<8x1xf32>
    %gt3A = arith.constant 0.999989986 : f32
    %gt3A_817 = vector.broadcast %gt3A : f32 to vector<8x1xf32>
    %gt3A_818 = arith.cmpf ogt, %max3A_816, %gt3A_817 : vector<8x1xf32>
    %div3A_819 = arith.constant 0.999989986 : f32
    %div3A_820 = vector.broadcast %div3A_819 : f32 to vector<8x1xf32>
    %div3A_821 = arith.divf %div3A_820, %max3A_816 : vector<8x1xf32>
    %jit3A = arith.constant 1.000000e+00 : f32
    %broadcast_in_dim3A_822 = vector.broadcast %jit3A : f32 to vector<8x1xf32>
    %select_n3A = arith.select %gt3A_818, %div3A_821, %broadcast_in_dim3A_822 : vector<8x1xi1>, vector<8x1xf32>
    %mul3A_823 = vector.broadcast %select_n3A : vector<8x1xf32> to vector<8x768xf32>
    %mul3A_824 = arith.mulf %div3A_808, %mul3A_823 : vector<8x768xf32>
    %get3A_825 = arith.constant 0 : index
    %get3A_826 = arith.constant 0 : index
    %get3A_827 = vector.load %arg3[%get3A_825, %get3A_826] : memref<60x768xf32, #tpu.memory_space<vmem>>, vector<60x768xf32>
    %mul3A_828 = arith.mulf %get3A_827, %get3A_827 : vector<60x768xf32>
    %reduce_sum3A_829 = arith.constant dense<0.000000e+00> : vector<60xf32>
    %reduce_sum3A_830 = vector.multi_reduction <add>, %mul3A_828, %reduce_sum3A_829 [1] : vector<60x768xf32> to vector<60xf32>
    %broadcast_in_dim3A_831 = vector.shape_cast %reduce_sum3A_830 : vector<60xf32> to vector<60x1xf32>
    %max3A_832 = arith.constant 9.99999996E-13 : f32
    %max3A_833 = vector.broadcast %max3A_832 : f32 to vector<60x1xf32>
    %max3A_834 = arith.maximumf %broadcast_in_dim3A_831, %max3A_833 : vector<60x1xf32>
    %rsqrt3A_835 = math.rsqrt %max3A_834 : vector<60x1xf32>
    %mul3A_836 = vector.broadcast %rsqrt3A_835 : vector<60x1xf32> to vector<60x768xf32>
    %mul3A_837 = arith.mulf %get3A_827, %mul3A_836 : vector<60x768xf32>
    %mul3A_838 = arith.constant 1.000000e-01 : f32
    %mul3A_839 = vector.broadcast %mul3A_838 : f32 to vector<60x768xf32>
    %mul3A_840 = arith.mulf %mul3A_837, %mul3A_839 : vector<60x768xf32>
    %mul3A_841 = arith.mulf %mul3A_840, %mul3A_840 : vector<60x768xf32>
    %reduce_sum3A_842 = arith.constant dense<0.000000e+00> : vector<60xf32>
    %reduce_sum3A_843 = vector.multi_reduction <add>, %mul3A_841, %reduce_sum3A_842 [1] : vector<60x768xf32> to vector<60xf32>
    %broadcast_in_dim3A_844 = vector.shape_cast %reduce_sum3A_843 : vector<60xf32> to vector<60x1xf32>
    %sqrt3A_845 = math.sqrt %broadcast_in_dim3A_844 : vector<60x1xf32>
    %max3A_846 = arith.constant 1.000000e-15 : f32
    %max3A_847 = vector.broadcast %max3A_846 : f32 to vector<60x1xf32>
    %max3A_848 = arith.maximumf %sqrt3A_845, %max3A_847 : vector<60x1xf32>
    %tanh3A_849 = math.tanh %max3A_848 : vector<60x1xf32>
    %mul3A_850 = vector.broadcast %tanh3A_849 : vector<60x1xf32> to vector<60x768xf32>
    %mul3A_851 = arith.mulf %mul3A_850, %mul3A_840 : vector<60x768xf32>
    %div3A_852 = vector.broadcast %max3A_848 : vector<60x1xf32> to vector<60x768xf32>
    %div3A_853 = arith.divf %mul3A_851, %div3A_852 : vector<60x768xf32>
    %mul3A_854 = arith.mulf %div3A_853, %div3A_853 : vector<60x768xf32>
    %reduce_sum3A_855 = arith.constant dense<0.000000e+00> : vector<60xf32>
    %reduce_sum3A_856 = vector.multi_reduction <add>, %mul3A_854, %reduce_sum3A_855 [1] : vector<60x768xf32> to vector<60xf32>
    %broadcast_in_dim3A_857 = vector.shape_cast %reduce_sum3A_856 : vector<60xf32> to vector<60x1xf32>
    %sqrt3A_858 = math.sqrt %broadcast_in_dim3A_857 : vector<60x1xf32>
    %max3A_859 = arith.constant 1.000000e-15 : f32
    %max3A_860 = vector.broadcast %max3A_859 : f32 to vector<60x1xf32>
    %max3A_861 = arith.maximumf %sqrt3A_858, %max3A_860 : vector<60x1xf32>
    %gt3A_862 = arith.constant 0.999989986 : f32
    %gt3A_863 = vector.broadcast %gt3A_862 : f32 to vector<60x1xf32>
    %gt3A_864 = arith.cmpf ogt, %max3A_861, %gt3A_863 : vector<60x1xf32>
    %div3A_865 = arith.constant 0.999989986 : f32
    %div3A_866 = vector.broadcast %div3A_865 : f32 to vector<60x1xf32>
    %div3A_867 = arith.divf %div3A_866, %max3A_861 : vector<60x1xf32>
    %jit3A_868 = arith.constant 1.000000e+00 : f32
    %broadcast_in_dim3A_869 = vector.broadcast %jit3A_868 : f32 to vector<60x1xf32>
    %select_n3A_870 = arith.select %gt3A_864, %div3A_867, %broadcast_in_dim3A_869 : vector<60x1xi1>, vector<60x1xf32>
    %mul3A_871 = vector.broadcast %select_n3A_870 : vector<60x1xf32> to vector<60x768xf32>
    %mul3A_872 = arith.mulf %div3A_853, %mul3A_871 : vector<60x768xf32>
    %mul3A_873 = arith.mulf %mul3A_824, %mul3A_824 : vector<8x768xf32>
    %reduce_sum3A_874 = arith.constant dense<0.000000e+00> : vector<8xf32>
    %reduce_sum3A_875 = vector.multi_reduction <add>, %mul3A_873, %reduce_sum3A_874 [1] : vector<8x768xf32> to vector<8xf32>
    %broadcast_in_dim3A_876 = vector.shape_cast %reduce_sum3A_875 : vector<8xf32> to vector<8x1xf32>
    %mul3A_877 = arith.mulf %mul3A_872, %mul3A_872 : vector<60x768xf32>
    %reduce_sum3A_878 = arith.constant dense<0.000000e+00> : vector<60xf32>
    %reduce_sum3A_879 = vector.multi_reduction <add>, %mul3A_877, %reduce_sum3A_878 [1] : vector<60x768xf32> to vector<60xf32>
    %broadcast_in_dim3A_880 = vector.shape_cast %reduce_sum3A_879 : vector<60xf32> to vector<60x1xf32>
    %dot_general3A = arith.constant dense<0.000000e+00> : vector<8x60xf32>
    %dot_general3A_881 = tpu.matmul %mul3A_824, %mul3A_872, %dot_general3A {dimension_numbers = #tpu.dot_dimension_numbers<[1], [1], [0], [0], [0, 0, 1, 0], [], []>, precision = #tpu.contract_precision<fp32>, transpose_lhs_hint = false} : vector<8x768xf32>, vector<60x768xf32>, vector<8x60xf32> -> vector<8x60xf32>
    %broadcast_in_dim3A_882 = arith.constant 1.000000e+00 : f32
    %broadcast_in_dim3A_883 = vector.broadcast %broadcast_in_dim3A_882 : f32 to vector<8x1xf32>
    %dot_general3A_884 = arith.constant dense<0.000000e+00> : vector<8x60xf32>
    %dot_general3A_885 = tpu.matmul %broadcast_in_dim3A_883, %broadcast_in_dim3A_880, %dot_general3A_884 {dimension_numbers = #tpu.dot_dimension_numbers<[1], [1], [0], [0], [0, 0, 1, 0], [], []>, precision = #tpu.contract_precision<fp32>, transpose_lhs_hint = false} : vector<8x1xf32>, vector<60x1xf32>, vector<8x60xf32> -> vector<8x60xf32>
    %mul3A_886 = arith.constant 2.000000e+00 : f32
    %mul3A_887 = vector.broadcast %mul3A_886 : f32 to vector<8x60xf32>
    %mul3A_888 = arith.mulf %mul3A_887, %dot_general3A_881 : vector<8x60xf32>
    %sub3A = arith.constant 1.000000e+00 : f32
    %sub3A_889 = vector.broadcast %sub3A : f32 to vector<8x60xf32>
    %sub3A_890 = arith.subf %sub3A_889, %mul3A_888 : vector<8x60xf32>
    %add3A_891 = arith.addf %sub3A_890, %dot_general3A_885 : vector<8x60xf32>
    %sub3A_892 = arith.constant 1.000000e+00 : f32
    %sub3A_893 = vector.broadcast %sub3A_892 : f32 to vector<8x1xf32>
    %sub3A_894 = arith.subf %sub3A_893, %broadcast_in_dim3A_876 : vector<8x1xf32>
    %mul3A_895 = arith.constant 2.000000e+00 : f32
    %mul3A_896 = vector.broadcast %mul3A_895 : f32 to vector<8x60xf32>
    %mul3A_897 = arith.mulf %mul3A_896, %dot_general3A_881 : vector<8x60xf32>
    %sub3A_898 = arith.constant 1.000000e+00 : f32
    %sub3A_899 = vector.broadcast %sub3A_898 : f32 to vector<8x60xf32>
    %sub3A_900 = arith.subf %sub3A_899, %mul3A_897 : vector<8x60xf32>
    %mul3A_901 = vector.broadcast %broadcast_in_dim3A_876 : vector<8x1xf32> to vector<8x60xf32>
    %mul3A_902 = arith.mulf %mul3A_901, %dot_general3A_885 : vector<8x60xf32>
    %add3A_903 = arith.addf %sub3A_900, %mul3A_902 : vector<8x60xf32>
    %max3A_904 = arith.constant 1.000000e-15 : f32
    %max3A_905 = vector.broadcast %max3A_904 : f32 to vector<8x60xf32>
    %max3A_906 = arith.maximumf %add3A_903, %max3A_905 : vector<8x60xf32>
    %mul3A_907 = arith.mulf %add3A_891, %add3A_891 : vector<8x60xf32>
    %mul3A_908 = vector.broadcast %broadcast_in_dim3A_876 : vector<8x1xf32> to vector<8x60xf32>
    %mul3A_909 = arith.mulf %mul3A_907, %mul3A_908 : vector<8x60xf32>
    %mul3A_910 = arith.mulf %sub3A_894, %sub3A_894 : vector<8x1xf32>
    %mul3A_911 = vector.broadcast %mul3A_910 : vector<8x1xf32> to vector<8x60xf32>
    %mul3A_912 = arith.mulf %mul3A_911, %dot_general3A_885 : vector<8x60xf32>
    %add3A_913 = arith.addf %mul3A_909, %mul3A_912 : vector<8x60xf32>
    %mul3A_914 = arith.constant 2.000000e+00 : f32
    %mul3A_915 = vector.broadcast %mul3A_914 : f32 to vector<8x60xf32>
    %mul3A_916 = arith.mulf %mul3A_915, %add3A_891 : vector<8x60xf32>
    %mul3A_917 = vector.broadcast %sub3A_894 : vector<8x1xf32> to vector<8x60xf32>
    %mul3A_918 = arith.mulf %mul3A_916, %mul3A_917 : vector<8x60xf32>
    %mul3A_919 = arith.mulf %mul3A_918, %dot_general3A_881 : vector<8x60xf32>
    %sub3A_920 = arith.subf %add3A_913, %mul3A_919 : vector<8x60xf32>
    %max3A_921 = arith.constant 0.000000e+00 : f32
    %max3A_922 = vector.broadcast %max3A_921 : f32 to vector<8x60xf32>
    %max3A_923 = arith.maximumf %sub3A_920, %max3A_922 : vector<8x60xf32>
    %sqrt3A_924 = math.sqrt %max3A_923 : vector<8x60xf32>
    %div3A_925 = arith.divf %sqrt3A_924, %max3A_906 : vector<8x60xf32>
    %min3A = arith.constant 0.999989986 : f32
    %min3A_926 = vector.broadcast %min3A : f32 to vector<8x60xf32>
    %min3A_927 = arith.minimumf %div3A_925, %min3A_926 : vector<8x60xf32>
    %add3A_928 = arith.constant 1.000000e+00 : f32
    %add3A_929 = vector.broadcast %add3A_928 : f32 to vector<8x60xf32>
    %add3A_930 = arith.addf %add3A_929, %min3A_927 : vector<8x60xf32>
    %sub3A_931 = arith.constant 1.000000e+00 : f32
    %sub3A_932 = vector.broadcast %sub3A_931 : f32 to vector<8x60xf32>
    %sub3A_933 = arith.subf %sub3A_932, %min3A_927 : vector<8x60xf32>
    %div3A_934 = arith.divf %add3A_930, %sub3A_933 : vector<8x60xf32>
    %log3A = math.log %div3A_934 : vector<8x60xf32>
    %neg3A = arith.constant 0.000000e+00 : f32
    %neg3A_935 = vector.broadcast %neg3A : f32 to vector<8x60xf32>
    %neg3A_936 = arith.subf %neg3A_935, %log3A : vector<8x60xf32>
    %swap3A = arith.constant 0 : index
    %swap3A_937 = arith.constant 0 : index
    %swap3A_938 = vector.load %arg5[%swap3A, %swap3A_937] : memref<8x60xf32, #tpu.memory_space<vmem>>, vector<8x60xf32>
    tpu.vector_store %arg5[%swap3A, %swap3A_937], %neg3A_936 {strides = array<i32>} : memref<8x60xf32, #tpu.memory_space<vmem>>, vector<8x60xf32>,
    %iota3A = tpu.iota {dimensions = array<i32: 1>} : vector<8x60xi32>
    %broadcast_in_dim3A_939 = arith.constant true
    %broadcast_in_dim3A_940 = vector.broadcast %broadcast_in_dim3A_939 : i1 to vector<8x60xi1>
    %jit3A_941 = arith.constant 0xFF800000 : f32
    %broadcast_in_dim3A_942 = vector.broadcast %jit3A_941 : f32 to vector<8x60xf32>
    %select_n3A_943 = arith.select %broadcast_in_dim3A_940, %neg3A_936, %broadcast_in_dim3A_942 : vector<8x60xi1>, vector<8x60xf32>
    %reduce_max3A = arith.constant dense<0xFF800000> : vector<8xf32>
    %reduce_max3A_944 = vector.multi_reduction <maximumf>, %select_n3A_943, %reduce_max3A [1] : vector<8x60xf32> to vector<8xf32>
    %broadcast_in_dim3A_945 = vector.shape_cast %reduce_max3A_944 : vector<8xf32> to vector<8x1xf32>
    %eq3A = vector.broadcast %broadcast_in_dim3A_945 : vector<8x1xf32> to vector<8x60xf32>
    %eq3A_946 = arith.cmpf oeq, %neg3A_936, %eq3A : vector<8x60xf32>
    %and3A = arith.andi %eq3A_946, %broadcast_in_dim3A_940 : vector<8x60xi1>
    %jit3A_947 = arith.constant 60 : i32
    %broadcast_in_dim3A_948 = vector.broadcast %jit3A_947 : i32 to vector<8x60xi32>
    %select_n3A_949 = arith.select %and3A, %iota3A, %broadcast_in_dim3A_948 : vector<8x60xi1>, vector<8x60xi32>
    %reduce_min3A = arith.constant dense<2147483647> : vector<8xi32>
    %reduce_min3A_950 = vector.multi_reduction <minsi>, %select_n3A_949, %reduce_min3A [1] : vector<8x60xi32> to vector<8xi32>
    %broadcast_in_dim3A_951 = vector.shape_cast %reduce_min3A_950 : vector<8xi32> to vector<8x1xi32>
    %ne3A = vector.broadcast %broadcast_in_dim3A_951 : vector<8x1xi32> to vector<8x60xi32>
    %ne3A_952 = arith.cmpi ne, %iota3A, %ne3A : vector<8x60xi32>
    %and3A_953 = arith.andi %broadcast_in_dim3A_940, %ne3A_952 : vector<8x60xi1>
    %jit3A_954 = arith.constant 0xFF800000 : f32
    %broadcast_in_dim3A_955 = vector.broadcast %jit3A_954 : f32 to vector<8x60xf32>
    %select_n3A_956 = arith.select %and3A_953, %neg3A_936, %broadcast_in_dim3A_955 : vector<8x60xi1>, vector<8x60xf32>
    %reduce_max3A_957 = arith.constant dense<0xFF800000> : vector<8xf32>
    %reduce_max3A_958 = vector.multi_reduction <maximumf>, %select_n3A_956, %reduce_max3A_957 [1] : vector<8x60xf32> to vector<8xf32>
    %broadcast_in_dim3A_959 = vector.shape_cast %reduce_max3A_958 : vector<8xf32> to vector<8x1xf32>
    %eq3A_960 = vector.broadcast %broadcast_in_dim3A_959 : vector<8x1xf32> to vector<8x60xf32>
    %eq3A_961 = arith.cmpf oeq, %neg3A_936, %eq3A_960 : vector<8x60xf32>
    %and3A_962 = arith.andi %eq3A_961, %and3A_953 : vector<8x60xi1>
    %jit3A_963 = arith.constant 60 : i32
    %broadcast_in_dim3A_964 = vector.broadcast %jit3A_963 : i32 to vector<8x60xi32>
    %select_n3A_965 = arith.select %and3A_962, %iota3A, %broadcast_in_dim3A_964 : vector<8x60xi1>, vector<8x60xi32>
    %reduce_min3A_966 = arith.constant dense<2147483647> : vector<8xi32>
    %reduce_min3A_967 = vector.multi_reduction <minsi>, %select_n3A_965, %reduce_min3A_966 [1] : vector<8x60xi32> to vector<8xi32>
    %broadcast_in_dim3A_968 = vector.shape_cast %reduce_min3A_967 : vector<8xi32> to vector<8x1xi32>
    %ne3A_969 = vector.broadcast %broadcast_in_dim3A_968 : vector<8x1xi32> to vector<8x60xi32>
    %ne3A_970 = arith.cmpi ne, %iota3A, %ne3A_969 : vector<8x60xi32>
    %and3A_971 = arith.andi %and3A_953, %ne3A_970 : vector<8x60xi1>
    %jit3A_972 = arith.constant 0xFF800000 : f32
    %broadcast_in_dim3A_973 = vector.broadcast %jit3A_972 : f32 to vector<8x60xf32>
    %select_n3A_974 = arith.select %and3A_971, %neg3A_936, %broadcast_in_dim3A_973 : vector<8x60xi1>, vector<8x60xf32>
    %reduce_max3A_975 = arith.constant dense<0xFF800000> : vector<8xf32>
    %reduce_max3A_976 = vector.multi_reduction <maximumf>, %select_n3A_974, %reduce_max3A_975 [1] : vector<8x60xf32> to vector<8xf32>
    %broadcast_in_dim3A_977 = vector.shape_cast %reduce_max3A_976 : vector<8xf32> to vector<8x1xf32>
    %eq3A_978 = vector.broadcast %broadcast_in_dim3A_977 : vector<8x1xf32> to vector<8x60xf32>
    %eq3A_979 = arith.cmpf oeq, %neg3A_936, %eq3A_978 : vector<8x60xf32>
    %and3A_980 = arith.andi %eq3A_979, %and3A_971 : vector<8x60xi1>
    %jit3A_981 = arith.constant 60 : i32
    %broadcast_in_dim3A_982 = vector.broadcast %jit3A_981 : i32 to vector<8x60xi32>
    %select_n3A_983 = arith.select %and3A_980, %iota3A, %broadcast_in_dim3A_982 : vector<8x60xi1>, vector<8x60xi32>
    %reduce_min3A_984 = arith.constant dense<2147483647> : vector<8xi32>
    %reduce_min3A_985 = vector.multi_reduction <minsi>, %select_n3A_983, %reduce_min3A_984 [1] : vector<8x60xi32> to vector<8xi32>
    %broadcast_in_dim3A_986 = vector.shape_cast %reduce_min3A_985 : vector<8xi32> to vector<8x1xi32>
    %ne3A_987 = vector.broadcast %broadcast_in_dim3A_986 : vector<8x1xi32> to vector<8x60xi32>
    %ne3A_988 = arith.cmpi ne, %iota3A, %ne3A_987 : vector<8x60xi32>
    %and3A_989 = arith.andi %and3A_971, %ne3A_988 : vector<8x60xi1>
    %jit3A_990 = arith.constant 0xFF800000 : f32
    %broadcast_in_dim3A_991 = vector.broadcast %jit3A_990 : f32 to vector<8x60xf32>
    %select_n3A_992 = arith.select %and3A_989, %neg3A_936, %broadcast_in_dim3A_991 : vector<8x60xi1>, vector<8x60xf32>
    %reduce_max3A_993 = arith.constant dense<0xFF800000> : vector<8xf32>
    %reduce_max3A_994 = vector.multi_reduction <maximumf>, %select_n3A_992, %reduce_max3A_993 [1] : vector<8x60xf32> to vector<8xf32>
    %broadcast_in_dim3A_995 = vector.shape_cast %reduce_max3A_994 : vector<8xf32> to vector<8x1xf32>
    %eq3A_996 = vector.broadcast %broadcast_in_dim3A_995 : vector<8x1xf32> to vector<8x60xf32>
    %eq3A_997 = arith.cmpf oeq, %neg3A_936, %eq3A_996 : vector<8x60xf32>
    %and3A_998 = arith.andi %eq3A_997, %and3A_989 : vector<8x60xi1>
    %jit3A_999 = arith.constant 60 : i32
    %broadcast_in_dim3A_1000 = vector.broadcast %jit3A_999 : i32 to vector<8x60xi32>
    %select_n3A_1001 = arith.select %and3A_998, %iota3A, %broadcast_in_dim3A_1000 : vector<8x60xi1>, vector<8x60xi32>
    %reduce_min3A_1002 = arith.constant dense<2147483647> : vector<8xi32>
    %reduce_min3A_1003 = vector.multi_reduction <minsi>, %select_n3A_1001, %reduce_min3A_1002 [1] : vector<8x60xi32> to vector<8xi32>
    %broadcast_in_dim3A_1004 = vector.shape_cast %reduce_min3A_1003 : vector<8xi32> to vector<8x1xi32>
    %ne3A_1005 = vector.broadcast %broadcast_in_dim3A_1004 : vector<8x1xi32> to vector<8x60xi32>
    %ne3A_1006 = arith.cmpi ne, %iota3A, %ne3A_1005 : vector<8x60xi32>
    %and3A_1007 = arith.andi %and3A_989, %ne3A_1006 : vector<8x60xi1>
    %jit3A_1008 = arith.constant 0xFF800000 : f32
    %broadcast_in_dim3A_1009 = vector.broadcast %jit3A_1008 : f32 to vector<8x60xf32>
    %select_n3A_1010 = arith.select %and3A_1007, %neg3A_936, %broadcast_in_dim3A_1009 : vector<8x60xi1>, vector<8x60xf32>
    %reduce_max3A_1011 = arith.constant dense<0xFF800000> : vector<8xf32>
    %reduce_max3A_1012 = vector.multi_reduction <maximumf>, %select_n3A_1010, %reduce_max3A_1011 [1] : vector<8x60xf32> to vector<8xf32>
    %broadcast_in_dim3A_1013 = vector.shape_cast %reduce_max3A_1012 : vector<8xf32> to vector<8x1xf32>
    %eq3A_1014 = vector.broadcast %broadcast_in_dim3A_1013 : vector<8x1xf32> to vector<8x60xf32>
    %eq3A_1015 = arith.cmpf oeq, %neg3A_936, %eq3A_1014 : vector<8x60xf32>
    %and3A_1016 = arith.andi %eq3A_1015, %and3A_1007 : vector<8x60xi1>
    %jit3A_1017 = arith.constant 60 : i32
    %broadcast_in_dim3A_1018 = vector.broadcast %jit3A_1017 : i32 to vector<8x60xi32>
    %select_n3A_1019 = arith.select %and3A_1016, %iota3A, %broadcast_in_dim3A_1018 : vector<8x60xi1>, vector<8x60xi32>
    %reduce_min3A_1020 = arith.constant dense<2147483647> : vector<8xi32>
    %reduce_min3A_1021 = vector.multi_reduction <minsi>, %select_n3A_1019, %reduce_min3A_1020 [1] : vector<8x60xi32> to vector<8xi32>
    %broadcast_in_dim3A_1022 = vector.shape_cast %reduce_min3A_1021 : vector<8xi32> to vector<8x1xi32>
    %ne3A_1023 = vector.broadcast %broadcast_in_dim3A_1022 : vector<8x1xi32> to vector<8x60xi32>
    %ne3A_1024 = arith.cmpi ne, %iota3A, %ne3A_1023 : vector<8x60xi32>
    %and3A_1025 = arith.andi %and3A_1007, %ne3A_1024 : vector<8x60xi1>
    %not3A = arith.constant dense<true> : vector<8x60xi1>
    %not3A_1026 = arith.xori %and3A_1025, %not3A : vector<8x60xi1>
    %jit3A_1027 = arith.constant 0.000000e+00 : f32
    %broadcast_in_dim3A_1028 = vector.broadcast %jit3A_1027 : f32 to vector<8x60xf32>
    %select_n3A_1029 = arith.select %not3A_1026, %log3A, %broadcast_in_dim3A_1028 : vector<8x60xi1>, vector<8x60xf32>
    %reduce_sum3A_1030 = vector.shape_cast %select_n3A_1029 : vector<8x60xf32> to vector<1x8x60xf32>
    %reduce_sum3A_1031 = arith.constant dense<0.000000e+00> : vector<1xf32>
    %reduce_sum3A_1032 = vector.multi_reduction <add>, %reduce_sum3A_1030, %reduce_sum3A_1031 [1, 2] : vector<1x8x60xf32> to vector<1xf32>
    %reduce_sum3A_1033 = vector.shape_cast %reduce_sum3A_1032 : vector<1xf32> to vector<1x1x1xf32>
    %reduce_sum3A_1034 = vector.extract %reduce_sum3A_1033[0, 0, 0] : f32 from vector<1x1x1xf32>
    %eq3A_1035 = arith.constant 0 : i32
    %eq3A_1036 = arith.cmpi eq, %arg0, %eq3A_1035 : i32
    %convert_element_type3A = arith.extui %eq3A_1036 : i1 to i32
    %cond3A = arith.constant 0 : i32
    %cond3A_1037 = arith.cmpi ne, %convert_element_type3A, %cond3A : i32
    scf.if %cond3A_1037 {
      %swap3A_1237 = arith.constant 0 : index
      %swap3A_1238 = arith.constant 0 : index
      %swap3A_1239 = memref.load %arg6[%swap3A_1237, %swap3A_1238] : memref<1x1xf32, #tpu.memory_space<smem>>
      memref.store %reduce_sum3A_1034, %arg6[%swap3A_1237, %swap3A_1238] : memref<1x1xf32, #tpu.memory_space<smem>>
    } else {
    }
    %gt3A_1038 = arith.constant 0 : i32
    %gt3A_1039 = arith.cmpi sgt, %arg0, %gt3A_1038 : i32
    %convert_element_type3A_1040 = arith.extui %gt3A_1039 : i1 to i32
    %cond3A_1041 = arith.constant 0 : i32
    %cond3A_1042 = arith.cmpi ne, %convert_element_type3A_1040, %cond3A_1041 : i32
    scf.if %cond3A_1042 {
      %get3A_1237 = arith.constant 0 : index
      %get3A_1238 = arith.constant 0 : index
      %get3A_1239 = memref.load %arg6[%get3A_1237, %get3A_1238] : memref<1x1xf32, #tpu.memory_space<smem>>
      %add3A_1240 = arith.addf %get3A_1239, %reduce_sum3A_1034 : f32
      %swap3A_1241 = arith.constant 0 : index
      %swap3A_1242 = arith.constant 0 : index
      %swap3A_1243 = memref.load %arg6[%swap3A_1241, %swap3A_1242] : memref<1x1xf32, #tpu.memory_space<smem>>
      memref.store %add3A_1240, %arg6[%swap3A_1241, %swap3A_1242] : memref<1x1xf32, #tpu.memory_space<smem>>
    } else {
    }
    %iota3A_1043 = tpu.iota {dimensions = array<i32: 0>} : vector<60x60xi32>
    %iota3A_1044 = tpu.iota {dimensions = array<i32: 1>} : vector<60x60xi32>
    %le3A = arith.cmpi sle, %iota3A_1043, %iota3A_1044 : vector<60x60xi32>
    %convert_element_type3A_1045 = arith.extui %le3A : vector<60x60xi1> to vector<60x60xi32>
    %convert_element_type3A_1046 = arith.sitofp %convert_element_type3A_1045 : vector<60x60xi32> to vector<60x60xf32>
    %convert_element_type3A_1047 = arith.extui %not3A_1026 : vector<8x60xi1> to vector<8x60xi32>
    %convert_element_type3A_1048 = arith.sitofp %convert_element_type3A_1047 : vector<8x60xi32> to vector<8x60xf32>
    %dot_general3A_1049 = arith.constant dense<0.000000e+00> : vector<8x60xf32>
    %dot_general3A_1050 = tpu.matmul %convert_element_type3A_1048, %convert_element_type3A_1046, %dot_general3A_1049 {dimension_numbers = #tpu.dot_dimension_numbers<[1], [0], [0], [1], [0, 0, 1, 1], [], []>, transpose_lhs_hint = false} : vector<8x60xf32>, vector<60x60xf32>, vector<8x60xf32> -> vector<8x60xf32>
    %eq3A_1051 = arith.constant 1.000000e+00 : f32
    %eq3A_1052 = vector.broadcast %eq3A_1051 : f32 to vector<8x60xf32>
    %eq3A_1053 = arith.cmpf oeq, %dot_general3A_1050, %eq3A_1052 : vector<8x60xf32>
    %and3A_1054 = arith.andi %not3A_1026, %eq3A_1053 : vector<8x60xi1>
    %jit3A_1055 = arith.constant 60 : i32
    %broadcast_in_dim3A_1056 = vector.broadcast %jit3A_1055 : i32 to vector<8x60xi32>
    %select_n3A_1057 = arith.select %and3A_1054, %iota3A, %broadcast_in_dim3A_1056 : vector<8x60xi1>, vector<8x60xi32>
    %reduce_min3A_1058 = arith.constant dense<2147483647> : vector<8xi32>
    %reduce_min3A_1059 = vector.multi_reduction <minsi>, %select_n3A_1057, %reduce_min3A_1058 [1] : vector<8x60xi32> to vector<8xi32>
    %broadcast_in_dim3A_1060 = vector.shape_cast %reduce_min3A_1059 : vector<8xi32> to vector<8x1xi32>
    %squeeze3A = vector.shape_cast %broadcast_in_dim3A_1060 : vector<8x1xi32> to vector<8xi32>
    %swap3A_1061 = arith.constant 0 : index
    %swap3A_1062 = arith.constant 0 : index
    %swap3A_1063 = vector.load %arg8[%swap3A_1061, %swap3A_1062] : memref<8x5xi32, #tpu.memory_space<vmem>>, vector<8x1xi32>
    %swap3A_1064 = vector.shape_cast %swap3A_1063 : vector<8x1xi32> to vector<8xi32>
    %swap3A_1065 = vector.shape_cast %squeeze3A : vector<8xi32> to vector<8x1xi32>
    tpu.vector_store %arg8[%swap3A_1061, %swap3A_1062], %swap3A_1065 {strides = array<i32>} : memref<8x5xi32, #tpu.memory_space<vmem>>, vector<8x1xi32>,
    %eq3A_1066 = vector.broadcast %broadcast_in_dim3A_1060 : vector<8x1xi32> to vector<8x60xi32>
    %eq3A_1067 = arith.cmpi eq, %iota3A, %eq3A_1066 : vector<8x60xi32>
    %convert_element_type3A_1068 = arith.extui %eq3A_1067 : vector<8x60xi1> to vector<8x60xi32>
    %convert_element_type3A_1069 = arith.sitofp %convert_element_type3A_1068 : vector<8x60xi32> to vector<8x60xf32>
    %dot_general3A_1070 = arith.constant dense<0.000000e+00> : vector<8x768xf32>
    %dot_general3A_1071 = tpu.matmul %convert_element_type3A_1069, %mul3A_872, %dot_general3A_1070 {dimension_numbers = #tpu.dot_dimension_numbers<[1], [0], [0], [1], [0, 0, 1, 1], [], []>, precision = #tpu.contract_precision<fp32>, transpose_lhs_hint = false} : vector<8x60xf32>, vector<60x768xf32>, vector<8x768xf32> -> vector<8x768xf32>
    %swap3A_1072 = arith.constant 0 : index
    %swap3A_1073 = arith.constant 0 : index
    %swap3A_1074 = arith.constant 0 : index
    %swap3A_1075 = vector.load %arg7[%swap3A_1072, %swap3A_1073, %swap3A_1074] : memref<8x5x768xf32, #tpu.memory_space<vmem>>, vector<8x1x768xf32>
    %swap3A_1076 = vector.shape_cast %swap3A_1075 : vector<8x1x768xf32> to vector<8x768xf32>
    %swap3A_1077 = vector.shape_cast %dot_general3A_1071 : vector<8x768xf32> to vector<8x1x768xf32>
    tpu.vector_store %arg7[%swap3A_1072, %swap3A_1073, %swap3A_1074], %swap3A_1077 {strides = array<i32>} : memref<8x5x768xf32, #tpu.memory_space<vmem>>, vector<8x1x768xf32>,
    %get3A_1078 = arith.constant 0 : index
    %get3A_1079 = arith.constant 0 : index
    %get3A_1080 = vector.load %arg2[%get3A_1078, %get3A_1079] : memref<60x3840xf32, #tpu.memory_space<vmem>>, vector<60x3840xf32>
    %dot_general3A_1081 = arith.constant dense<0.000000e+00> : vector<8x3840xf32>
    %dot_general3A_1082 = tpu.matmul %convert_element_type3A_1069, %get3A_1080, %dot_general3A_1081 {dimension_numbers = #tpu.dot_dimension_numbers<[1], [0], [0], [1], [0, 0, 1, 1], [], []>, transpose_lhs_hint = false} : vector<8x60xf32>, vector<60x3840xf32>, vector<8x3840xf32> -> vector<8x3840xf32>
    %swap3A_1083 = arith.constant 0 : index
    %swap3A_1084 = arith.constant 0 : index
    %swap3A_1085 = vector.load %arg9[%swap3A_1083, %swap3A_1084] : memref<8x19200xf32, #tpu.memory_space<vmem>>, vector<8x3840xf32>
    tpu.vector_store %arg9[%swap3A_1083, %swap3A_1084], %dot_general3A_1082 {strides = array<i32>} : memref<8x19200xf32, #tpu.memory_space<vmem>>, vector<8x3840xf32>,
    %eq3A_1086 = arith.constant 2.000000e+00 : f32
    %eq3A_1087 = vector.broadcast %eq3A_1086 : f32 to vector<8x60xf32>
    %eq3A_1088 = arith.cmpf oeq, %dot_general3A_1050, %eq3A_1087 : vector<8x60xf32>
    %and3A_1089 = arith.andi %not3A_1026, %eq3A_1088 : vector<8x60xi1>
    %jit3A_1090 = arith.constant 60 : i32
    %broadcast_in_dim3A_1091 = vector.broadcast %jit3A_1090 : i32 to vector<8x60xi32>
    %select_n3A_1092 = arith.select %and3A_1089, %iota3A, %broadcast_in_dim3A_1091 : vector<8x60xi1>, vector<8x60xi32>
    %reduce_min3A_1093 = arith.constant dense<2147483647> : vector<8xi32>
    %reduce_min3A_1094 = vector.multi_reduction <minsi>, %select_n3A_1092, %reduce_min3A_1093 [1] : vector<8x60xi32> to vector<8xi32>
    %broadcast_in_dim3A_1095 = vector.shape_cast %reduce_min3A_1094 : vector<8xi32> to vector<8x1xi32>
    %squeeze3A_1096 = vector.shape_cast %broadcast_in_dim3A_1095 : vector<8x1xi32> to vector<8xi32>
    %swap3A_1097 = arith.constant 0 : index
    %swap3A_1098 = arith.constant 1 : index
    %swap3A_1099 = vector.load %arg8[%swap3A_1097, %swap3A_1098] : memref<8x5xi32, #tpu.memory_space<vmem>>, vector<8x1xi32>
    %swap3A_1100 = vector.shape_cast %swap3A_1099 : vector<8x1xi32> to vector<8xi32>
    %swap3A_1101 = vector.shape_cast %squeeze3A_1096 : vector<8xi32> to vector<8x1xi32>
    tpu.vector_store %arg8[%swap3A_1097, %swap3A_1098], %swap3A_1101 {strides = array<i32>} : memref<8x5xi32, #tpu.memory_space<vmem>>, vector<8x1xi32>,
    %eq3A_1102 = vector.broadcast %broadcast_in_dim3A_1095 : vector<8x1xi32> to vector<8x60xi32>
    %eq3A_1103 = arith.cmpi eq, %iota3A, %eq3A_1102 : vector<8x60xi32>
    %convert_element_type3A_1104 = arith.extui %eq3A_1103 : vector<8x60xi1> to vector<8x60xi32>
    %convert_element_type3A_1105 = arith.sitofp %convert_element_type3A_1104 : vector<8x60xi32> to vector<8x60xf32>
    %dot_general3A_1106 = arith.constant dense<0.000000e+00> : vector<8x768xf32>
    %dot_general3A_1107 = tpu.matmul %convert_element_type3A_1105, %mul3A_872, %dot_general3A_1106 {dimension_numbers = #tpu.dot_dimension_numbers<[1], [0], [0], [1], [0, 0, 1, 1], [], []>, precision = #tpu.contract_precision<fp32>, transpose_lhs_hint = false} : vector<8x60xf32>, vector<60x768xf32>, vector<8x768xf32> -> vector<8x768xf32>
    %swap3A_1108 = arith.constant 0 : index
    %swap3A_1109 = arith.constant 1 : index
    %swap3A_1110 = arith.constant 0 : index
    %swap3A_1111 = vector.load %arg7[%swap3A_1108, %swap3A_1109, %swap3A_1110] : memref<8x5x768xf32, #tpu.memory_space<vmem>>, vector<8x1x768xf32>
    %swap3A_1112 = vector.shape_cast %swap3A_1111 : vector<8x1x768xf32> to vector<8x768xf32>
    %swap3A_1113 = vector.shape_cast %dot_general3A_1107 : vector<8x768xf32> to vector<8x1x768xf32>
    tpu.vector_store %arg7[%swap3A_1108, %swap3A_1109, %swap3A_1110], %swap3A_1113 {strides = array<i32>} : memref<8x5x768xf32, #tpu.memory_space<vmem>>, vector<8x1x768xf32>,
    %get3A_1114 = arith.constant 0 : index
    %get3A_1115 = arith.constant 0 : index
    %get3A_1116 = vector.load %arg2[%get3A_1114, %get3A_1115] : memref<60x3840xf32, #tpu.memory_space<vmem>>, vector<60x3840xf32>
    %dot_general3A_1117 = arith.constant dense<0.000000e+00> : vector<8x3840xf32>
    %dot_general3A_1118 = tpu.matmul %convert_element_type3A_1105, %get3A_1116, %dot_general3A_1117 {dimension_numbers = #tpu.dot_dimension_numbers<[1], [0], [0], [1], [0, 0, 1, 1], [], []>, transpose_lhs_hint = false} : vector<8x60xf32>, vector<60x3840xf32>, vector<8x3840xf32> -> vector<8x3840xf32>
    %swap3A_1119 = arith.constant 0 : index
    %swap3A_1120 = arith.constant 3840 : index
    %swap3A_1121 = vector.load %arg9[%swap3A_1119, %swap3A_1120] : memref<8x19200xf32, #tpu.memory_space<vmem>>, vector<8x3840xf32>
    tpu.vector_store %arg9[%swap3A_1119, %swap3A_1120], %dot_general3A_1118 {strides = array<i32>} : memref<8x19200xf32, #tpu.memory_space<vmem>>, vector<8x3840xf32>,
    %eq3A_1122 = arith.constant 3.000000e+00 : f32
    %eq3A_1123 = vector.broadcast %eq3A_1122 : f32 to vector<8x60xf32>
    %eq3A_1124 = arith.cmpf oeq, %dot_general3A_1050, %eq3A_1123 : vector<8x60xf32>
    %and3A_1125 = arith.andi %not3A_1026, %eq3A_1124 : vector<8x60xi1>
    %jit3A_1126 = arith.constant 60 : i32
    %broadcast_in_dim3A_1127 = vector.broadcast %jit3A_1126 : i32 to vector<8x60xi32>
    %select_n3A_1128 = arith.select %and3A_1125, %iota3A, %broadcast_in_dim3A_1127 : vector<8x60xi1>, vector<8x60xi32>
    %reduce_min3A_1129 = arith.constant dense<2147483647> : vector<8xi32>
    %reduce_min3A_1130 = vector.multi_reduction <minsi>, %select_n3A_1128, %reduce_min3A_1129 [1] : vector<8x60xi32> to vector<8xi32>
    %broadcast_in_dim3A_1131 = vector.shape_cast %reduce_min3A_1130 : vector<8xi32> to vector<8x1xi32>
    %squeeze3A_1132 = vector.shape_cast %broadcast_in_dim3A_1131 : vector<8x1xi32> to vector<8xi32>
    %swap3A_1133 = arith.constant 0 : index
    %swap3A_1134 = arith.constant 2 : index
    %swap3A_1135 = vector.load %arg8[%swap3A_1133, %swap3A_1134] : memref<8x5xi32, #tpu.memory_space<vmem>>, vector<8x1xi32>
    %swap3A_1136 = vector.shape_cast %swap3A_1135 : vector<8x1xi32> to vector<8xi32>
    %swap3A_1137 = vector.shape_cast %squeeze3A_1132 : vector<8xi32> to vector<8x1xi32>
    tpu.vector_store %arg8[%swap3A_1133, %swap3A_1134], %swap3A_1137 {strides = array<i32>} : memref<8x5xi32, #tpu.memory_space<vmem>>, vector<8x1xi32>,
    %eq3A_1138 = vector.broadcast %broadcast_in_dim3A_1131 : vector<8x1xi32> to vector<8x60xi32>
    %eq3A_1139 = arith.cmpi eq, %iota3A, %eq3A_1138 : vector<8x60xi32>
    %convert_element_type3A_1140 = arith.extui %eq3A_1139 : vector<8x60xi1> to vector<8x60xi32>
    %convert_element_type3A_1141 = arith.sitofp %convert_element_type3A_1140 : vector<8x60xi32> to vector<8x60xf32>
    %dot_general3A_1142 = arith.constant dense<0.000000e+00> : vector<8x768xf32>
    %dot_general3A_1143 = tpu.matmul %convert_element_type3A_1141, %mul3A_872, %dot_general3A_1142 {dimension_numbers = #tpu.dot_dimension_numbers<[1], [0], [0], [1], [0, 0, 1, 1], [], []>, precision = #tpu.contract_precision<fp32>, transpose_lhs_hint = false} : vector<8x60xf32>, vector<60x768xf32>, vector<8x768xf32> -> vector<8x768xf32>
    %swap3A_1144 = arith.constant 0 : index
    %swap3A_1145 = arith.constant 2 : index
    %swap3A_1146 = arith.constant 0 : index
    %swap3A_1147 = vector.load %arg7[%swap3A_1144, %swap3A_1145, %swap3A_1146] : memref<8x5x768xf32, #tpu.memory_space<vmem>>, vector<8x1x768xf32>
    %swap3A_1148 = vector.shape_cast %swap3A_1147 : vector<8x1x768xf32> to vector<8x768xf32>
    %swap3A_1149 = vector.shape_cast %dot_general3A_1143 : vector<8x768xf32> to vector<8x1x768xf32>
    tpu.vector_store %arg7[%swap3A_1144, %swap3A_1145, %swap3A_1146], %swap3A_1149 {strides = array<i32>} : memref<8x5x768xf32, #tpu.memory_space<vmem>>, vector<8x1x768xf32>,
    %get3A_1150 = arith.constant 0 : index
    %get3A_1151 = arith.constant 0 : index
    %get3A_1152 = vector.load %arg2[%get3A_1150, %get3A_1151] : memref<60x3840xf32, #tpu.memory_space<vmem>>, vector<60x3840xf32>
    %dot_general3A_1153 = arith.constant dense<0.000000e+00> : vector<8x3840xf32>
    %dot_general3A_1154 = tpu.matmul %convert_element_type3A_1141, %get3A_1152, %dot_general3A_1153 {dimension_numbers = #tpu.dot_dimension_numbers<[1], [0], [0], [1], [0, 0, 1, 1], [], []>, transpose_lhs_hint = false} : vector<8x60xf32>, vector<60x3840xf32>, vector<8x3840xf32> -> vector<8x3840xf32>
    %swap3A_1155 = arith.constant 0 : index
    %swap3A_1156 = arith.constant 7680 : index
    %swap3A_1157 = vector.load %arg9[%swap3A_1155, %swap3A_1156] : memref<8x19200xf32, #tpu.memory_space<vmem>>, vector<8x3840xf32>
    tpu.vector_store %arg9[%swap3A_1155, %swap3A_1156], %dot_general3A_1154 {strides = array<i32>} : memref<8x19200xf32, #tpu.memory_space<vmem>>, vector<8x3840xf32>,
    %eq3A_1158 = arith.constant 4.000000e+00 : f32
    %eq3A_1159 = vector.broadcast %eq3A_1158 : f32 to vector<8x60xf32>
    %eq3A_1160 = arith.cmpf oeq, %dot_general3A_1050, %eq3A_1159 : vector<8x60xf32>
    %and3A_1161 = arith.andi %not3A_1026, %eq3A_1160 : vector<8x60xi1>
    %jit3A_1162 = arith.constant 60 : i32
    %broadcast_in_dim3A_1163 = vector.broadcast %jit3A_1162 : i32 to vector<8x60xi32>
    %select_n3A_1164 = arith.select %and3A_1161, %iota3A, %broadcast_in_dim3A_1163 : vector<8x60xi1>, vector<8x60xi32>
    %reduce_min3A_1165 = arith.constant dense<2147483647> : vector<8xi32>
    %reduce_min3A_1166 = vector.multi_reduction <minsi>, %select_n3A_1164, %reduce_min3A_1165 [1] : vector<8x60xi32> to vector<8xi32>
    %broadcast_in_dim3A_1167 = vector.shape_cast %reduce_min3A_1166 : vector<8xi32> to vector<8x1xi32>
    %squeeze3A_1168 = vector.shape_cast %broadcast_in_dim3A_1167 : vector<8x1xi32> to vector<8xi32>
    %swap3A_1169 = arith.constant 0 : index
    %swap3A_1170 = arith.constant 3 : index
    %swap3A_1171 = vector.load %arg8[%swap3A_1169, %swap3A_1170] : memref<8x5xi32, #tpu.memory_space<vmem>>, vector<8x1xi32>
    %swap3A_1172 = vector.shape_cast %swap3A_1171 : vector<8x1xi32> to vector<8xi32>
    %swap3A_1173 = vector.shape_cast %squeeze3A_1168 : vector<8xi32> to vector<8x1xi32>
    tpu.vector_store %arg8[%swap3A_1169, %swap3A_1170], %swap3A_1173 {strides = array<i32>} : memref<8x5xi32, #tpu.memory_space<vmem>>, vector<8x1xi32>,
    %eq3A_1174 = vector.broadcast %broadcast_in_dim3A_1167 : vector<8x1xi32> to vector<8x60xi32>
    %eq3A_1175 = arith.cmpi eq, %iota3A, %eq3A_1174 : vector<8x60xi32>
    %convert_element_type3A_1176 = arith.extui %eq3A_1175 : vector<8x60xi1> to vector<8x60xi32>
    %convert_element_type3A_1177 = arith.sitofp %convert_element_type3A_1176 : vector<8x60xi32> to vector<8x60xf32>
    %dot_general3A_1178 = arith.constant dense<0.000000e+00> : vector<8x768xf32>
    %dot_general3A_1179 = tpu.matmul %convert_element_type3A_1177, %mul3A_872, %dot_general3A_1178 {dimension_numbers = #tpu.dot_dimension_numbers<[1], [0], [0], [1], [0, 0, 1, 1], [], []>, precision = #tpu.contract_precision<fp32>, transpose_lhs_hint = false} : vector<8x60xf32>, vector<60x768xf32>, vector<8x768xf32> -> vector<8x768xf32>
    %swap3A_1180 = arith.constant 0 : index
    %swap3A_1181 = arith.constant 3 : index
    %swap3A_1182 = arith.constant 0 : index
    %swap3A_1183 = vector.load %arg7[%swap3A_1180, %swap3A_1181, %swap3A_1182] : memref<8x5x768xf32, #tpu.memory_space<vmem>>, vector<8x1x768xf32>
    %swap3A_1184 = vector.shape_cast %swap3A_1183 : vector<8x1x768xf32> to vector<8x768xf32>
    %swap3A_1185 = vector.shape_cast %dot_general3A_1179 : vector<8x768xf32> to vector<8x1x768xf32>
    tpu.vector_store %arg7[%swap3A_1180, %swap3A_1181, %swap3A_1182], %swap3A_1185 {strides = array<i32>} : memref<8x5x768xf32, #tpu.memory_space<vmem>>, vector<8x1x768xf32>,
    %get3A_1186 = arith.constant 0 : index
    %get3A_1187 = arith.constant 0 : index
    %get3A_1188 = vector.load %arg2[%get3A_1186, %get3A_1187] : memref<60x3840xf32, #tpu.memory_space<vmem>>, vector<60x3840xf32>
    %dot_general3A_1189 = arith.constant dense<0.000000e+00> : vector<8x3840xf32>
    %dot_general3A_1190 = tpu.matmul %convert_element_type3A_1177, %get3A_1188, %dot_general3A_1189 {dimension_numbers = #tpu.dot_dimension_numbers<[1], [0], [0], [1], [0, 0, 1, 1], [], []>, transpose_lhs_hint = false} : vector<8x60xf32>, vector<60x3840xf32>, vector<8x3840xf32> -> vector<8x3840xf32>
    %swap3A_1191 = arith.constant 0 : index
    %swap3A_1192 = arith.constant 11520 : index
    %swap3A_1193 = vector.load %arg9[%swap3A_1191, %swap3A_1192] : memref<8x19200xf32, #tpu.memory_space<vmem>>, vector<8x3840xf32>
    tpu.vector_store %arg9[%swap3A_1191, %swap3A_1192], %dot_general3A_1190 {strides = array<i32>} : memref<8x19200xf32, #tpu.memory_space<vmem>>, vector<8x3840xf32>,
    %eq3A_1194 = arith.constant 5.000000e+00 : f32
    %eq3A_1195 = vector.broadcast %eq3A_1194 : f32 to vector<8x60xf32>
    %eq3A_1196 = arith.cmpf oeq, %dot_general3A_1050, %eq3A_1195 : vector<8x60xf32>
    %and3A_1197 = arith.andi %not3A_1026, %eq3A_1196 : vector<8x60xi1>
    %jit3A_1198 = arith.constant 60 : i32
    %broadcast_in_dim3A_1199 = vector.broadcast %jit3A_1198 : i32 to vector<8x60xi32>
    %select_n3A_1200 = arith.select %and3A_1197, %iota3A, %broadcast_in_dim3A_1199 : vector<8x60xi1>, vector<8x60xi32>
    %reduce_min3A_1201 = arith.constant dense<2147483647> : vector<8xi32>
    %reduce_min3A_1202 = vector.multi_reduction <minsi>, %select_n3A_1200, %reduce_min3A_1201 [1] : vector<8x60xi32> to vector<8xi32>
    %broadcast_in_dim3A_1203 = vector.shape_cast %reduce_min3A_1202 : vector<8xi32> to vector<8x1xi32>
    %squeeze3A_1204 = vector.shape_cast %broadcast_in_dim3A_1203 : vector<8x1xi32> to vector<8xi32>
    %swap3A_1205 = arith.constant 0 : index
    %swap3A_1206 = arith.constant 4 : index
    %swap3A_1207 = vector.load %arg8[%swap3A_1205, %swap3A_1206] : memref<8x5xi32, #tpu.memory_space<vmem>>, vector<8x1xi32>
    %swap3A_1208 = vector.shape_cast %swap3A_1207 : vector<8x1xi32> to vector<8xi32>
    %swap3A_1209 = vector.shape_cast %squeeze3A_1204 : vector<8xi32> to vector<8x1xi32>
    tpu.vector_store %arg8[%swap3A_1205, %swap3A_1206], %swap3A_1209 {strides = array<i32>} : memref<8x5xi32, #tpu.memory_space<vmem>>, vector<8x1xi32>,
    %eq3A_1210 = vector.broadcast %broadcast_in_dim3A_1203 : vector<8x1xi32> to vector<8x60xi32>
    %eq3A_1211 = arith.cmpi eq, %iota3A, %eq3A_1210 : vector<8x60xi32>
    %convert_element_type3A_1212 = arith.extui %eq3A_1211 : vector<8x60xi1> to vector<8x60xi32>
    %convert_element_type3A_1213 = arith.sitofp %convert_element_type3A_1212 : vector<8x60xi32> to vector<8x60xf32>
    %dot_general3A_1214 = arith.constant dense<0.000000e+00> : vector<8x768xf32>
    %dot_general3A_1215 = tpu.matmul %convert_element_type3A_1213, %mul3A_872, %dot_general3A_1214 {dimension_numbers = #tpu.dot_dimension_numbers<[1], [0], [0], [1], [0, 0, 1, 1], [], []>, precision = #tpu.contract_precision<fp32>, transpose_lhs_hint = false} : vector<8x60xf32>, vector<60x768xf32>, vector<8x768xf32> -> vector<8x768xf32>
    %swap3A_1216 = arith.constant 0 : index
    %swap3A_1217 = arith.constant 4 : index
    %swap3A_1218 = arith.constant 0 : index
    %swap3A_1219 = vector.load %arg7[%swap3A_1216, %swap3A_1217, %swap3A_1218] : memref<8x5x768xf32, #tpu.memory_space<vmem>>, vector<8x1x768xf32>
    %swap3A_1220 = vector.shape_cast %swap3A_1219 : vector<8x1x768xf32> to vector<8x768xf32>
    %swap3A_1221 = vector.shape_cast %dot_general3A_1215 : vector<8x768xf32> to vector<8x1x768xf32>
    tpu.vector_store %arg7[%swap3A_1216, %swap3A_1217, %swap3A_1218], %swap3A_1221 {strides = array<i32>} : memref<8x5x768xf32, #tpu.memory_space<vmem>>, vector<8x1x768xf32>,
    %get3A_1222 = arith.constant 0 : index
    %get3A_1223 = arith.constant 0 : index
    %get3A_1224 = vector.load %arg2[%get3A_1222, %get3A_1223] : memref<60x3840xf32, #tpu.memory_space<vmem>>, vector<60x3840xf32>
    %dot_general3A_1225 = arith.constant dense<0.000000e+00> : vector<8x3840xf32>
    %dot_general3A_1226 = tpu.matmul %convert_element_type3A_1213, %get3A_1224, %dot_general3A_1225 {dimension_numbers = #tpu.dot_dimension_numbers<[1], [0], [0], [1], [0, 0, 1, 1], [], []>, transpose_lhs_hint = false} : vector<8x60xf32>, vector<60x3840xf32>, vector<8x3840xf32> -> vector<8x3840xf32>
    %swap3A_1227 = arith.constant 0 : index
    %swap3A_1228 = arith.constant 15360 : index
    %swap3A_1229 = vector.load %arg9[%swap3A_1227, %swap3A_1228] : memref<8x19200xf32, #tpu.memory_space<vmem>>, vector<8x3840xf32>
    tpu.vector_store %arg9[%swap3A_1227, %swap3A_1228], %dot_general3A_1226 {strides = array<i32>} : memref<8x19200xf32, #tpu.memory_space<vmem>>, vector<8x3840xf32>,
    %mul3A_1230 = arith.constant 8 : i32
    %mul3A_1231 = arith.muli %arg0, %mul3A_1230 : i32
    %dma_start3A_1232 = arith.constant 0 : i32
    %dma_start3A_1233 = tpu.memref_slice %arg4[%mul3A_1231, %dma_start3A_1232] : memref<128x170496xf32, #tpu.memory_space<any>> -> memref<8x19200xf32, #tpu.memory_space<any>>
    tpu.enqueue_dma source(%arg9 : memref<8x19200xf32, #tpu.memory_space<vmem>>) target(%dma_start3A_1233 : memref<8x19200xf32, #tpu.memory_space<any>>) target_semaphore(%arg11 : memref<!tpu.dma_semaphore, #tpu.memory_space<semaphore_mem>>)
    %dma_wait3A = arith.constant 0 : i32
    %dma_wait3A_1234 = tpu.memref_slice %arg4[%mul3A_1231, %dma_wait3A] : memref<128x170496xf32, #tpu.memory_space<any>> -> memref<8x19200xf32, #tpu.memory_space<any>>
    tpu.wait_dma2 semaphore(%arg11 : memref<!tpu.dma_semaphore, #tpu.memory_space<semaphore_mem>>) src(%arg9 : memref<8x19200xf32, #tpu.memory_space<vmem>>) dst(%dma_wait3A_1234 : memref<8x19200xf32, #tpu.memory_space<any>>)
    %dma_wait3A_1235 = arith.constant 19200 : i32
    %dma_wait3A_1236 = tpu.memref_slice %arg4[%mul3A_0, %dma_wait3A_1235] : memref<128x170496xf32, #tpu.memory_space<any>> -> memref<8x151296xf32, #tpu.memory_space<any>>
    tpu.wait_dma2 semaphore(%arg10 : memref<!tpu.dma_semaphore, #tpu.memory_space<semaphore_mem>>) src(%arg1 : memref<8x151296xf32, #tpu.memory_space<vmem>>) dst(%dma_wait3A_1236 : memref<8x151296xf32, #tpu.memory_space<any>>)
    return
  }
  func.func @transform_0(%arg0: i32) -> (i32, i32) {
    %c0_i32 = arith.constant 0 : i32
    %c0_i32_0 = arith.constant 0 : i32
    return %arg0, %c0_i32 : i32, i32
  }
  func.func @transform_1(%arg0: i32) -> (i32, i32) {
    %c0_i32 = arith.constant 0 : i32
    %c0_i32_0 = arith.constant 0 : i32
    %c0_i32_1 = arith.constant 0 : i32
    return %c0_i32, %c0_i32_0 : i32, i32
  }
  func.func @transform_2(%arg0: i32) -> (i32, i32) {
    %c0_i32 = arith.constant 0 : i32
    %c0_i32_0 = arith.constant 0 : i32
    %c0_i32_1 = arith.constant 0 : i32
    return %c0_i32, %c0_i32_0 : i32, i32
  }
  func.func @transform_4(%arg0: i32) -> (i32, i32) {
    %c0_i32 = arith.constant 0 : i32
    %c0_i32_0 = arith.constant 0 : i32
    return %arg0, %c0_i32 : i32, i32
  }
  func.func @transform_5(%arg0: i32) -> (i32, i32) {
    %c0_i32 = arith.constant 0 : i32
    %c0_i32_0 = arith.constant 0 : i32
    %c0_i32_1 = arith.constant 0 : i32
    return %c0_i32, %c0_i32_0 : i32, i32
  }
  func.func @transform_6(%arg0: i32) -> (i32, i32, i32) {
    %c0_i32 = arith.constant 0 : i32
    %c0_i32_0 = arith.constant 0 : i32
    %c0_i32_1 = arith.constant 0 : i32
    return %arg0, %c0_i32, %c0_i32_0 : i32, i32, i32
  }
  func.func @transform_7(%arg0: i32) -> (i32, i32) {
    %c0_i32 = arith.constant 0 : i32
    %c0_i32_0 = arith.constant 0 : i32
    return %arg0, %c0_i32 : i32, i32
  }
}

</mosaic_0001>

<sc_bundles>
// kernel: sparse-core-data-format-call.cloned.1.call-start
scs
called_computation_lowered:
.L_overlay_start_0:
0x0: {  	s2 =	sld [smem:$0x3FD9]  }
0x1: {  	s3 =	sld [smem:$0x3FFE];
	_ =	sdelay $0x1  }
0x2: {  	s1 =	srdreg.scid  }
0x3: {  	s0 =	sand.u32 $0x1, s1  }
0x4: {  	s15 =	sshll.u32 s0, $0xA;
	s2 =	sadd.s32 s3, s2  }
0x5: {  	s2 =	sadd.s32 s2, s15  }
0x6: {  	[smem:$0x3FC5] =	sst s2  }
0x7: {  	_ = 	snop  }
0x8: {  	s2 =	sld [smem:$0x3FD0];
	_ =	sdelay $0x2  }
0x9: {  	s16 =	simm.s32 $0xA;
	s4 =	simm.s32 $0x10  }
0xa: {  	[smem:s4], [sflag:s16] =	dma.local [hbm:s2], $0x1  }
0xb: {  	_ =	swait.eq [sflag:s16], $0x1  }
0xc: {  	[sflag:s16] =	ssyncset.done $0x0  }
0xd: {  	[sflag:s16] =	ssyncadd.s32 $0xFFFFFFFF  }
0xe: {  	s17 =	sld [smem:$0x10];
	(tm) =	ssettm $0x1  }
0xf: {  	s18 =	sld [smem:$0x3FFB];
	_ =	sdelay $0x3  }
0x10: {  	_ =	strace s18  }
0x11: {  	s3 =	sld [smem:$0x3FFC];
	_ =	sdelay $0x3  }
0x12: {  	_ =	strace s3  }
0x13: {  	s3 =	sld [smem:$0x3FFD];
	_ =	sdelay $0x3  }
0x14: {  	_ =	strace s3  }
0x15: {  	_ =	strace $0x8FFFFFFF  }
0x16: {  	s19 =	sld [smem:$0x3FDB];
	_ =	sdelay $0x1  }
0x17: {  	s20 =	simm.s32 $_scs_section_size  }
0x18: {  	s5 =	simm.s32 $_size__tile_overlayer_lowered;
	s6 =	simm.s32 $_tile_overlayer_lowered  }
0x19: {  	s23 =	simm.s32 $0x1BFF;
	s22 =	sshll.u32 s6, $0x1;
	s3 =	sadd.s32 s20, s19  }
0x1a: {  	s7 =	simm.s32 $0x0;
	s21 =	sshll.u32 s5, $0x1;
	s5 =	sadd.s32 s22, s3  }
0x1b: {  	[timem:s7], [sflag:s23] =	dma.local [hbm:s5], s21  }
0x1c: {  	_ =	swait.ge [sflag:s23], s21  }
0x1d: {  	s4 =	ssub.s32 $0x0, s21;
	[sflag:s23] =	ssyncset.done $0x0  }
0x1e: {  	[sflag:s23] =	ssyncadd.s32 s4;
	_ =	sdelay $0x1  }
0x1f: {  	s24 =	simm.s32 $0x1B8B  }
0x20: {  	_ =	swait.ge [sflag:s24], $0x1  }
0x21: {  	[sflag:s24] =	ssyncset.done $0x0  }
0x22: {  	s26 =	simm.s32 $0x1B8E;
	s25 =	sld [smem:$0x3FFE];
	[sflag:s24] =	ssyncadd.s32 $0xFFFFFFFF  }
0x23: {  	s27 =	simm.s32 $execute0_lowered;
	[smem:$0x3FD2] =	sst s26  }
0x24: {  	s5 =	sshll.u32 s27, $0x1;
	_ =	strace $0x80000046;
	[dreg:$0x1] =	wrdreg $0xFFFFFFFF  }
0x25: {  	s28 =	simm.s32 $_size_execute0_lowered;
	s3 =	sadd.s32 s3, s5;
	[dreg:$0x0] =	wrdreg $0x0  }
0x26: {  	s5 =	sshll.u32 s28, $0x1;
	[dreg:$0x2] =	wrdreg s3  }
0x27: {  	[dreg:$0x3] =	wrdreg s5  }
0x28: {  	[dreg:$0x4] =	wrdreg $0xC0  }
0x29: {  	_ =	task [dreg:s7], $0x5FFFF  }
0x2a: {  	[dreg:$0x1] =	wrdreg $0xFFFFFFFF  }
0x2b: {  	[dreg:$0x0] =	wrdreg $0x60  }
0x2c: {  	[dreg:$0x2] =	wrdreg s25  }
0x2d: {  	[dreg:$0x3] =	wrdreg s17  }
0x2e: {  	[dreg:$0x4] =	wrdreg $0x9  }
0x2f: {  	_ =	task.clear_ibuf [dreg:s7], $0x5FFFF;
	_ =	strace $0x90000046  }
0x30: {  	s29 =	simm.s32 $0x9;
	_ =	strace $0x80000048  }
0x31: {  	_ =	swait.ge [sflag:s29], $0x1  }
0x32: {  	[sflag:s29] =	ssyncadd.s32 $0xFFFFFFFF  }
0x33: {  	_ =	strace $0x90000048  }
0x34: {  	_ =	sfence  }
0x35: {  	s30 =	sld [smem:$0x0];
	_ =	sdelay $0x2  }
0x36: {  	s31 =	sshll.u32 s1, $0xD;
	s1 =	sshrl.u32 s1, $0x2  }
0x37: {  	s3 =	sand.u32 $0x4000, s31;
	s1 =	sadd.s32 s1, s30  }
0x38: {  	s0 =	sor.u32 s3, s0;
	s1 =	sshll.u32 s1, $0x11  }
0x39: {  	s0 =	sor.u32 s1, s0  }
0x3a: {  	s0 =	sadd.s32 $0x8F2B, s0  }
0x3b: {  	[sflag:s0] =	ssyncadd.remote.s32 $0x1  }
0x3c: {  	_ =	sfence.sel $0xFFFF  }
0x3d: {  	[dreg:$0x0] =	wrdreg $0xFFFFFFFF;
	(pc) =	sbr.abs _section_cstart, $3  }
0x3e: {  	[dreg:$0x1] =	wrdreg $0xFFFFFFFF  }
0x3f: {  	_ =	task.clear_ibuf [dreg:s7], $0x2FFFF;
	_ =	strace $0x9FFFFFFF  }
0x40: {  	(tm) =	ssettm $0x7FFFFFFF  }
0x41: {  	_ =	shalt  }
tec
execute0_lowered:
.L_overlay_start_1:
0x0: {  	(tag) =	ssettag $0x1  }
0x1: {  	s0 =	srdreg.scid;
	s6 =	rddreg [dreg:$0x0]  }
0x2: {  	s3 =	rddreg [dreg:$0x1];
	s7 =	simm.s32 $0x2;
	s1 =	sshll.u32 s0, $0x4  }
0x3: {  	s13 =	simm.s32 $0x0;
	s0 =	stileid.u32;
	s1 =	sand.u32 $0x10, s1  }
0x4: {  	p0 =	por $0x0, $0x0;
	s8 =	simm.s32 $0x1800;
	s2 =	sor.u32 s0, s1  }
.Ltmp0:
0x5: {  	s12 =	simm.s32 $0x0;
	s4 =	ssub.s32 $0xFD, s2;
	(pc) =	sbr.rel .LBB1_1-.Ltmp0, $4  }
0x6: {  	s9 =	simm.s32 $0x0;
	s1 =	rddreg [dreg:$0x2];
	s5 =	sshrl.u32 s4, $0x5  }
0x7: {  	_ =	strace $0x80000047;
	s4 =	simm.s32 $0x1;
	s5 =	smul.u32 $0x6, s5  }
0x8: {  	s11 =	simm.s32 $0x0;
	s6 =	sadd.s32 $0x19C00, s6;
	[sflag:s4] =	ssyncpa.u1 $0x0  }
0x9: {  	s10 =	smov.u32 s2;
	[sflag:s7] =	ssyncpa.u1 $0x0;
	s7 =	sor.u32 $0x1, s5  }
.LBB1_4:
0xa: {  	v5 =	vld [tilespmem:s17+$0xFFFFFFD0];
	[tilespmem:s16+$0x2040 ss:$0x81] =	vst.msk $0xffff, v3;
	s19 =	sshll.u32 s13, $0x3  }
0xb: {  	v58 =	vld [tilespmem:s17+$0xFFFFFFE0];
	[tilespmem:s16+$0x2850 ss:$0x81] =	vst.msk $0xffff, v4;
	s24 =	sand.u32 $0x7F, s13;
	s19 =	sand.u32 $0xFFFFFC00, s19  }
0xc: {  	s18 =	sshra.s32 s18, $0x2;
	v59 =	vld [tilespmem:s17+$0xFFFFFFF0];
	[tilespmem:s16+$0x3060 ss:$0x81] =	vst.msk $0xffff, v2;
	s13 =	sor.u32 s24, s19  }
0xd: {  	v60 =	vld [tilespmem:s17+$0x0];
	[tilespmem:s16+$0x0 ss:$0x81] =	vst.msk $0xffff, v0;
	s15 =	sadd.s32 s18, s15;
	s25 =	smulhi.u32 $0xAAAAAAAB, s13  }
0xe: {  	v61 =	vld [tilespmem:s17+$0x10];
	[tilespmem:s15+$0x3870 ss:$0x81] =	vst.msk $0xffff, v1;
	s26 =	smulhi.u32 $0xAAAAAAAB, s19  }
0xf: {  	v62 =	vld [tilespmem:s17+$0x20];
	[tilespmem:s15+$0x810 ss:$0x81] =	vst.msk $0xffff, v5;
	s16 =	sshrl.u32 s25, $0x9  }
0x10: {  	v63 =	vld [tilespmem:s17+$0xFFFFFFC0];
	s27 =	sshrl.u32 s26, $0x9;
	[tilespmem:s15+$0x1020 ss:$0x81] =	vst.msk $0xffff, v58;
	s16 =	smul.u32 $0x300, s16  }
0x11: {  	s12 =	smul.u32 $0x3000, s12;
	[tilespmem:s15+$0x1830 ss:$0x81] =	vst.msk $0xffff, v59;
	s17 =	sand.u32 $0x7F, s27  }
0x12: {  	[tilespmem:s15+$0x2040 ss:$0x81] =	vst.msk $0xffff, v60;
	s28 =	smul.u32 $0x60, s17;
	s13 =	ssub.s32 s13, s16  }
0x13: {  	s12 =	sadd.s32 s3, s12;
	[tilespmem:s15+$0x2850 ss:$0x81] =	vst.msk $0xffff, v61;
	s29 =	sand.u32 $0x7, s13  }
0x14: {  	[tilespmem:s15+$0x3060 ss:$0x81] =	vst.msk $0xffff, v62;
	s12 =	sadd.s32 s28, s12;
	s13 =	sshrl.u32 s13, $0x3;
	s30 =	sshll.u32 s29, $0x12  }
0x15: {  	[tilespmem:s15+$0x0 ss:$0x81] =	vst.msk $0xffff, v63;
	s12 =	sadd.s32 s13, s12;
	s31 =	sor.u32 $0x400, s30  }
0x16: {  	[hbm4b:s12+s31] =	stream.strided.scatter [tilespmem:s14], [sflag:$0x2], $0x4000, s8, s31, $0x20;
	[tilespmem:$0x10100] =	vst v63  }
.LBB1_5:
0x17: {  	s14 =	sadd.s32 $0x80, s9  }
0x18: {  	s12 =	sadd.s32 $0x20, s10;
	s16 =	smov.u32 s10;
	p2 =	sgt.s32 s14, $0x2FF  }
0x19: {  	s16 =	smov.u32 @p2 s12  }
0x1a: {  	s14 =	simm.s32 @p2 $0x0;
	p2 =	sgt.s32 s16, $0xDD  }
0x1b: {  	s16 =	smov.u32 @p2 s2;
	p2 =	sne.s32 s11, s7  }
.Ltmp1:
0x1c: {  	p1 =	slt.u32 s11, $0x2;
	(pc) =	sbr.rel @!p2 .LBB1_6-.Ltmp1, $4  }
0x1d: {  	s15 =	simm.s32 @!p1 $0x2  }
0x1e: {  	s13 =	smov.u32 s9;
	p0 =	por !p0, !p0;
	_ =	swait.ge @!p1 [sflag:s15], $0x4000  }
0x1f: {  	s12 =	smov.u32 s10;
	[sflag:s15] =	ssyncset.done @!p1 $0x0;
	s9 =	smov.u32 s14  }
0x20: {  	s11 =	sadd.s32 $0x1, s11;
	[sflag:s15] =	ssyncadd.s32 @!p1 $0xFFFFC000;
	s10 =	smov.u32 s16  }
.LBB1_1:
0x21: {  	p1 =	sge.u32 s11, s5  }
0x22: {  	s14 =	sand.u32 @!p1 $0x1FFFFFF, s9  }
0x23: {  	s15 =	smulhi.u32 @!p1 $0xAAAAAB, s14;
	_ =	sdelay $0x1  }
0x24: {  	s15 =	sshrl.u32 @!p1 s15, $0x1  }
0x25: {  	s15 =	smul.u32 @!p1 $0x300, s15  }
0x26: {  	s16 =	smul.u32 @!p1 $0x3000, s10  }
0x27: {  	s31 =	sadd.s32 $0xFFFFFFFF, s11;
	s14 =	ssub.s32 @!p1 s14, s15;
	s15 =	sxor.u32 @!p1 $0xFFFFFFFF, s11  }
0x28: {  	s16 =	sadd.s32 @!p1 s6, s16;
	s15 =	sshll.u32 @!p1 s15, $0xE;
	s14 =	sshll.u32 @!p1 s14, $0x4  }
0x29: {  	s15 =	sand.u32 @!p1 $0x4000, s15;
	s14 =	sadd.s32 @!p1 s14, s16;
	s16 =	simm.s32 @!p1 $0x0  }
0x2a: {  	[tilespmem:s15], [sflag:$0x1] =	stream.linear.gather @!p1 [hbm4b:s14+s16], $0x4000, $0x38;
	[tilespmem:$0x10100] =	vst v63  }
0x2b: {  	p1 =	sge.u32 s31, s5  }
.Ltmp2:
0x2c: {  	_ = 	snop;
	(pc) =	sbr.rel @p1 .LBB1_5-.Ltmp2, $1  }
0x2d: {  	_ =	sdelay $0x3  }
0x2e: {  	s14 =	simm.s32 $0x1  }
0x2f: {  	_ =	swait.ge [sflag:s4], $0x4000;
	s14 =	simm.s32 @!p0 $0x0  }
0x30: {  	[sflag:s4] =	ssyncset.done $0x0;
	s15 =	sshll.u32 s14, $0xE  }
0x31: {  	[sflag:s4] =	ssyncadd.s32 $0xFFFFC000;
	s17 =	sor.u32 $0x40, s15  }
0x32: {  	s14 =	smul.u32 $0x10200, s14;
	v0 =	vld [tilespmem:s17+$0x30]  }
0x33: {  	v1 =	vld [tilespmem:s17+$0xFFFFFFD0]  }
0x34: {  	s14 =	sshrl.u32 s14, $0x2;
	v5 =	vld [tilespmem:s17+$0xFFFFFFE0]  }
0x35: {  	v6 =	vld [tilespmem:s17+$0xFFFFFFF0];
	s15 =	sor.u32 $0x8000, s14  }
0x36: {  	s31 =	sand.u32 $0x1, s11;
	v3 =	vld [tilespmem:s17+$0x0];
	s16 =	sadd.s32 $0x0, s15  }
0x37: {  	v4 =	vld [tilespmem:s17+$0x10];
	s14 =	smul.u32 $0x10200, s31;
	[tilespmem:s16+$0x3870 ss:$0x81] =	vst.msk $0xffff, v0  }
0x38: {  	v2 =	vld [tilespmem:s17+$0x20];
	[tilespmem:s16+$0x810 ss:$0x81] =	vst.msk $0xffff, v1  }
0x39: {  	s14 =	sshrl.u32 s14, $0x2;
	v0 =	vld [tilespmem:s17+$0xFFFFFFC0];
	[tilespmem:s16+$0x1020 ss:$0x81] =	vst.msk $0xffff, v5;
	s17 =	sadd.s32 $0x80, s17  }
0x3a: {  	s18 =	simm.s32 $0x4;
	s19 =	simm.s32 $0x8;
	s14 =	sor.u32 $0x8000, s14;
	[tilespmem:s16+$0x1830 ss:$0x81] =	vst.msk $0xffff, v6;
	v1 =	vld [tilespmem:s17+$0x30]  }
.LBB1_3:
0x3b: {  	p1 =	sne.s32 s19, $0x1FC;
	v5 =	vld [tilespmem:s17+$0xFFFFFFD0];
	[tilespmem:s16+$0x2040 ss:$0x81] =	vst.msk $0xffff, v3  }
0x3c: {  	v6 =	vld [tilespmem:s17+$0xFFFFFFE0];
	[tilespmem:s16+$0x2850 ss:$0x81] =	vst.msk $0xffff, v4  }
0x3d: {  	s20 =	sshra.s32 s18, $0x2;
	s18 =	smov.u32 s19;
	v7 =	vld [tilespmem:s17+$0xFFFFFFF0];
	[tilespmem:s16+$0x3060 ss:$0x81] =	vst.msk $0xffff, v2  }
.Ltmp3:
0x3e: {  	v3 =	vld [tilespmem:s17+$0x0];
	[tilespmem:s16+$0x0 ss:$0x81] =	vst.msk $0xffff, v0;
	s16 =	sadd.s32 s20, s15;
	(pc) =	sbr.rel @p1 .LBB1_3-.Ltmp3, $4  }
0x3f: {  	v4 =	vld [tilespmem:s17+$0x10];
	[tilespmem:s16+$0x3870 ss:$0x81] =	vst.msk $0xffff, v1  }
0x40: {  	[tilespmem:s16+$0x810 ss:$0x81] =	vst.msk $0xffff, v5;
	v2 =	vld [tilespmem:s17+$0x20]  }
0x41: {  	v0 =	vld [tilespmem:s17+$0xFFFFFFC0];
	[tilespmem:s16+$0x1020 ss:$0x81] =	vst.msk $0xffff, v6;
	s17 =	sadd.s32 $0x80, s17  }
0x42: {  	s19 =	sadd.s32 $0x4, s19;
	v1 =	vld [tilespmem:s17+$0x30];
	[tilespmem:s16+$0x1830 ss:$0x81] =	vst.msk $0xffff, v7  }
.Ltmp4:
0x43: {  	_ = 	snop;
	(pc) =	sbr.rel .LBB1_4-.Ltmp4, $1  }
0x44: {  	_ =	sdelay $0x3  }
.LBB1_6:
0x45: {  	_ =	sfence.sel $0x180000  }
0x46: {  	s2 =	simm.s32 $0x1;
	[bflag:$0x0] =	sbarrier.arrive $0xFFFF  }
0x47: {  	s31 =	simm.s32 $0x2;
	[sflag:s2] =	ssyncpa.u1 $0x1  }
0x48: {  	[sflag:s31] =	ssyncpa.u1 $0x1  }
0x49: {  	p0 =	sne.s32 s0, $0x0;
	_ =	strace $0x90000047  }
0x4a: {  	s0 =	sadd.s32 @!p0 $0x100000, s1;
	[bflag:$0x2] =	sbarrier.arrive $0xFFFF  }
0x4b: {  	[sflag:s0] =	ssyncadd.tile.s32 @!p0 $0x1;
	_ =	shalt  }
.Lfunc_end1:
_tile_overlayer_lowered:
.L_overlay_start_2:
0x4c: {  	(tag) =	ssettag $0x2  }
0x4d: {  	s0 =	rddreg [dreg:$0x0];
	s2 =	stileid.u32  }
0x4e: {  	s1 =	rddreg [dreg:$0x1];
	p0 =	sne.s32 s2, $0x0  }
0x4f: {  	s3 =	rddreg [dreg:$0x2];
	[bflag:$0x3] =	sbarrier.arrive $0xFFFF;
	s2 =	simm.s32 @!p0 $0x1C01  }
0x50: {  	[timem:s3], [sflag:s2] =	dma.local @!p0 [hbm:s0], s1  }
0x51: {  	s0 =	simm.s32 @!p0 $0x1  }
0x52: {  	_ =	swait.ge @!p0 [sflag:s0], s1  }
0x53: {  	s1 =	ssub.s32 @!p0 $0x0, s1;
	[sflag:s0] =	ssyncset.done @!p0 $0x0  }
0x54: {  	[sflag:s0] =	ssyncadd.s32 @!p0 s1  }
0x55: {  	[bflag:$0x3] =	sbarrier.arrive $0xFFFF  }
0x56: {  	_ =	shalt  }

</sc_bundles>
